<compile_context>
chip_gen: v7x
topology: tpu7x:2x2x1
jax: 0.10.2.dev20260603
libtpu: 0.0.44.dev20260713+nightly
codegen_flags: <defaults>
</compile_context>

<pallas_src>
import functools

import jax
import jax.numpy as jnp
from jax import lax
from jax.experimental import pallas as pl
from jax.experimental.pallas import tpu as pltpu
from jax.experimental.pallas import tpu_sc as plsc

_B = 131072
_NW = 32
_ROWS_PER_W = _B // _NW
_CHUNK = 128
_NPASS = _CHUNK // 16
_NCHUNK = _ROWS_PER_W // _CHUNK


_CW = _CHUNK * 128
_OW = _CHUNK * 128


def _sc_body(x_hbm, out_hbm, xv, ov, ocm, hist, mv, bv, isem, osem):
    nc = 2
    wid = lax.axis_index("s") * nc + lax.axis_index("c")
    iota = lax.iota(jnp.int32, 16)
    sixteens_i = jnp.full((16,), 16, jnp.int32)
    zeros_i = jnp.zeros((16,), jnp.int32)

    for p in range(65):
        hist[pl.ds(p * 16, 16)] = zeros_i

    pltpu.async_copy(
        x_hbm.at[pl.ds(wid * _ROWS_PER_W * 128, _CW)], xv.at[pl.ds(0, _CW)],
        isem)

    def chunk_body(ci):
        base = wid * _ROWS_PER_W + ci * _CHUNK
        ibuf = (ci & 1) * _CW
        obuf = (ci & 1) * _OW
        pltpu.make_async_copy(
            x_hbm.at[pl.ds(0, _CW)], xv.at[pl.ds(0, _CW)], isem).wait()

        @pl.when(ci + 1 < _NCHUNK)
        def _prefetch():
            pltpu.async_copy(
                x_hbm.at[pl.ds((base + _CHUNK) * 128, _CW)],
                xv.at[pl.ds(_CW - ibuf, _CW)],
                isem)

        @pl.when(ci >= 2)
        def _drain_out():
            pltpu.make_async_copy(
                out_hbm.at[pl.ds(0, _OW)],
                ov.at[pl.ds(0, _OW)], osem).wait()

        def pass_body(pi):
            rowf = ibuf + (iota + pi * 16) * 128
            rowo = obuf + (iota + pi * 16) * 128

            @plsc.parallel_loop(
                0, 64,
                unroll=8,
                carry=(jnp.zeros((16,), jnp.float32),
                       jnp.zeros((16,), jnp.float32)),
            )
            def kloop(k, c):
                x_lo, y_lo = c
                col = (iota + k) & 63
                a = rowf + col
                x_hi = plsc.load_gather(xv, [a])
                y_hi = plsc.load_gather(xv, [a + 64])
                s = x_hi * 64.0
                ti = s.astype(jnp.int32)
                u = ti + (ti.astype(jnp.float32) < s).astype(jnp.int32)
                plsc.addupdate_scatter(hist, [u * 16 + iota], sixteens_i)
                m = (y_hi - y_lo) / (x_hi - x_lo)
                b = y_lo - m * x_lo
                maddr = col * 16 + iota
                plsc.store_scatter(mv, [maddr], m)
                plsc.store_scatter(bv, [maddr], b)
                return (x_hi, y_hi)

            x_last, y_last = kloop
            xf = plsc.load_gather(xv, [rowf + iota])
            yf = plsc.load_gather(xv, [rowf + iota + 64])
            mw = (yf - y_last) / (xf - x_last)
            bw = y_last - mw * x_last
            msk = iota > 0
            plsc.store_scatter(mv, [iota * 17], mw, mask=msk)
            plsc.store_scatter(bv, [iota * 17], bw, mask=msk)
            x0 = plsc.load_gather(xv, [rowf + 0])
            y0 = plsc.load_gather(xv, [rowf + 64])
            m0 = (y0 - 0.0) / (x0 - (-0.01))
            mv[pl.ds(0, 16)] = m0
            bv[pl.ds(0, 16)] = 0.0 - m0 * (-0.01)
            x63 = plsc.load_gather(xv, [rowf + 63])
            y63 = plsc.load_gather(xv, [rowf + 127])
            m64 = (0.0 - y63) / (1.01 - x63)
            mv[pl.ds(64 * 16, 16)] = m64
            bv[pl.ds(64 * 16, 16)] = y63 - m64 * x63

            @plsc.parallel_loop(0, 64, unroll=8, carry=zeros_i)
            def ploop(p, cnt16):
                h = hist[pl.ds(p * 16, 16)]
                hist[pl.ds(p * 16, 16)] = zeros_i
                cnt16 = cnt16 + h
                a = cnt16 + iota
                mg = plsc.load_gather(mv, [a])
                bg = plsc.load_gather(bv, [a])
                t = p.astype(jnp.float32) * (1.0 / 64.0)
                o = mg * t + bg
                ocm[pl.ds(p * 16, 16)] = o
                return cnt16

            del ploop
            hist[pl.ds(64 * 16, 16)] = zeros_i

            @plsc.parallel_loop(0, 16, unroll=4)
            def tloop(d):
                e = (iota + d) & 15
                e16 = e * 16
                for blk in range(4):
                    src = e16 + iota + blk * 256
                    v = plsc.load_gather(ocm, [src])
                    dst = rowo + e + blk * 16
                    plsc.store_scatter(ov, [dst], v)

            del tloop

        pl.loop(0, _NPASS)(pass_body)
        pltpu.async_copy(
            ov.at[pl.ds(obuf, _OW)],
            out_hbm.at[pl.ds(base * 128, _OW)],
            osem)

    pl.loop(0, _NCHUNK)(chunk_body)
    for _ in range(2):
        pltpu.make_async_copy(
            out_hbm.at[pl.ds(0, _OW)],
            ov.at[pl.ds(0, _OW)], osem).wait()


def kernel(X):
    mesh = plsc.VectorSubcoreMesh(core_axis_name="c", subcore_axis_name="s")
    f = functools.partial(
        pl.kernel,
        mesh=mesh,
        compiler_params=pltpu.CompilerParams(needs_layout_passes=False),
        out_type=jax.ShapeDtypeStruct((_B * 128,), jnp.float32),
        scratch_types=[
            pltpu.VMEM((2 * _CW,), jnp.float32),
            pltpu.VMEM((2 * _OW,), jnp.float32),
            pltpu.VMEM((64 * 16,), jnp.float32),
            pltpu.VMEM((65 * 16,), jnp.int32),
            pltpu.VMEM((65 * 16,), jnp.float32),
            pltpu.VMEM((65 * 16,), jnp.float32),
            pltpu.SemaphoreType.DMA,
            pltpu.SemaphoreType.DMA,
        ],
    )(_sc_body)
    out = f(X.reshape(_B * 128))
    return out.reshape(_B, 128)[:, :64]

# --- scband reference (transcript-rebuilt; emitter-appended) ---
"""Pipeline reference for scband-interpolate-transform-71588514890460 (READ-ONLY COPY).

The authoritative reference and input builder live on the scoring server;
editing this copy changes nothing except your own understanding.
"""

import jax, jax.numpy as jnp
import numpy as np

B = 131072
NEW_X = jnp.asarray(np.arange(64, dtype=np.float32) / 64.0)
IDX_X = jnp.arange(64, dtype=jnp.int32)
IDX_Y = jnp.arange(64, 128, dtype=jnp.int32)
PREPEND_X = jnp.asarray([-0.01], dtype=jnp.float32)
PREPEND_Y = jnp.asarray([0.0], dtype=jnp.float32)
APPEND_X = jnp.asarray([1.01], dtype=jnp.float32)
APPEND_Y = jnp.asarray([0.0], dtype=jnp.float32)


def _interp1d(x, y, x_new):
    m = (y[1:] - y[:-1]) / (x[1:] - x[:-1])
    b = y[:-1] - m * x[:-1]
    idx = jnp.sum((x_new[:, None] >= x[None, :]).astype(jnp.int32), axis=1) - 1
    idx = jnp.clip(idx, 0, m.shape[0] - 1)
    return m[idx] * x_new + b[idx]


def _cat_ends(v, pre, app):
    shp = v.shape[:-1]
    pre_e = jnp.broadcast_to(pre.reshape((1,) * len(shp) + (-1,)), shp + (pre.shape[0],))
    app_e = jnp.broadcast_to(app.reshape((1,) * len(shp) + (-1,)), shp + (app.shape[0],))
    return jnp.concatenate([pre_e, v, app_e], axis=-1)


def setup_inputs(seed: int = 0) -> dict:
    key = jax.random.key(seed)
    X = jax.random.uniform(key, (B, 128), dtype=jnp.float32)
    return {"X": X}


def reference(X):
    x = jnp.take(X, IDX_X, axis=-1)
    x = _cat_ends(x, PREPEND_X, APPEND_X)
    y = jnp.take(X, IDX_Y, axis=-1)
    y = _cat_ends(y, PREPEND_Y, APPEND_Y)
    new_x = jnp.broadcast_to(NEW_X[None, :], (x.shape[0], NEW_X.shape[0]))
    new_y = jax.vmap(_interp1d)(x, y, new_x)
    return new_y

if __name__ == "__main__":
    import jax
    _d = setup_inputs()
    print(jax.jit(kernel)(*tuple(_d.values())))

</pallas_src>

<mosaic_0001>
#map = affine_map<(d0, d1) -> (0)>
module attributes {stable_mosaic.version = 14 : i64} {
  func.func @_sc_body(%arg0: i32, %arg1: i32, %arg2: memref<16777216xf32, #tpu.memory_space<hbm>>, %arg3: memref<16777216xf32, #tpu.memory_space<hbm>>, %arg4: memref<32768xf32, #tpu.memory_space<vmem>>, %arg5: memref<32768xf32, #tpu.memory_space<vmem>>, %arg6: memref<1024xf32, #tpu.memory_space<vmem>>, %arg7: memref<1040xi32, #tpu.memory_space<vmem>>, %arg8: memref<1040xf32, #tpu.memory_space<vmem>>, %arg9: memref<1040xf32, #tpu.memory_space<vmem>>, %arg10: memref<!tpu.dma_semaphore, #tpu.memory_space<semaphore_mem>>, %arg11: memref<!tpu.dma_semaphore, #tpu.memory_space<semaphore_mem>>) attributes {dimension_semantics = [#tpu.dimension_semantics<core_parallel>, #tpu.dimension_semantics<subcore_parallel>], iteration_bounds = array<i64: 2, 16>, scalar_prefetch = 0 : i64, scratch_operands = 8 : i64, tpu.core_type = #tpu.core_type<sc_vector_subcore>, window_params = [{transform_indices = #map}, {transform_indices = #map}]} {
    %mul3A = arith.constant 2 : i32
    %mul3A_0 = arith.muli %arg1, %mul3A : i32
    %add3A = arith.addi %mul3A_0, %arg0 : i32
    %iota3A = tpu.iota {dimensions = array<i32: 0>} : vector<16xi32>
    %broadcast_in_dim3A = arith.constant 16 : i32
    %broadcast_in_dim3A_1 = vector.broadcast %broadcast_in_dim3A : i32 to vector<16xi32>
    %broadcast_in_dim3A_2 = arith.constant 0 : i32
    %broadcast_in_dim3A_3 = vector.broadcast %broadcast_in_dim3A_2 : i32 to vector<16xi32>
    %swap3A = arith.constant 0 : index
    %swap3A_4 = tpu.vector_load %arg7[%swap3A] {strides = array<i32>} : memref<1040xi32, #tpu.memory_space<vmem>>, vector<16xi32>,
    tpu.vector_store %arg7[%swap3A], %broadcast_in_dim3A_3 {strides = array<i32>} : memref<1040xi32, #tpu.memory_space<vmem>>, vector<16xi32>,
    %swap3A_5 = arith.constant 16 : index
    %swap3A_6 = tpu.vector_load %arg7[%swap3A_5] {strides = array<i32>} : memref<1040xi32, #tpu.memory_space<vmem>>, vector<16xi32>,
    tpu.vector_store %arg7[%swap3A_5], %broadcast_in_dim3A_3 {strides = array<i32>} : memref<1040xi32, #tpu.memory_space<vmem>>, vector<16xi32>,
    %swap3A_7 = arith.constant 32 : index
    %swap3A_8 = tpu.vector_load %arg7[%swap3A_7] {strides = array<i32>} : memref<1040xi32, #tpu.memory_space<vmem>>, vector<16xi32>,
    tpu.vector_store %arg7[%swap3A_7], %broadcast_in_dim3A_3 {strides = array<i32>} : memref<1040xi32, #tpu.memory_space<vmem>>, vector<16xi32>,
    %swap3A_9 = arith.constant 48 : index
    %swap3A_10 = tpu.vector_load %arg7[%swap3A_9] {strides = array<i32>} : memref<1040xi32, #tpu.memory_space<vmem>>, vector<16xi32>,
    tpu.vector_store %arg7[%swap3A_9], %broadcast_in_dim3A_3 {strides = array<i32>} : memref<1040xi32, #tpu.memory_space<vmem>>, vector<16xi32>,
    %swap3A_11 = arith.constant 64 : index
    %swap3A_12 = tpu.vector_load %arg7[%swap3A_11] {strides = array<i32>} : memref<1040xi32, #tpu.memory_space<vmem>>, vector<16xi32>,
    tpu.vector_store %arg7[%swap3A_11], %broadcast_in_dim3A_3 {strides = array<i32>} : memref<1040xi32, #tpu.memory_space<vmem>>, vector<16xi32>,
    %swap3A_13 = arith.constant 80 : index
    %swap3A_14 = tpu.vector_load %arg7[%swap3A_13] {strides = array<i32>} : memref<1040xi32, #tpu.memory_space<vmem>>, vector<16xi32>,
    tpu.vector_store %arg7[%swap3A_13], %broadcast_in_dim3A_3 {strides = array<i32>} : memref<1040xi32, #tpu.memory_space<vmem>>, vector<16xi32>,
    %swap3A_15 = arith.constant 96 : index
    %swap3A_16 = tpu.vector_load %arg7[%swap3A_15] {strides = array<i32>} : memref<1040xi32, #tpu.memory_space<vmem>>, vector<16xi32>,
    tpu.vector_store %arg7[%swap3A_15], %broadcast_in_dim3A_3 {strides = array<i32>} : memref<1040xi32, #tpu.memory_space<vmem>>, vector<16xi32>,
    %swap3A_17 = arith.constant 112 : index
    %swap3A_18 = tpu.vector_load %arg7[%swap3A_17] {strides = array<i32>} : memref<1040xi32, #tpu.memory_space<vmem>>, vector<16xi32>,
    tpu.vector_store %arg7[%swap3A_17], %broadcast_in_dim3A_3 {strides = array<i32>} : memref<1040xi32, #tpu.memory_space<vmem>>, vector<16xi32>,
    %swap3A_19 = arith.constant 128 : index
    %swap3A_20 = tpu.vector_load %arg7[%swap3A_19] {strides = array<i32>} : memref<1040xi32, #tpu.memory_space<vmem>>, vector<16xi32>,
    tpu.vector_store %arg7[%swap3A_19], %broadcast_in_dim3A_3 {strides = array<i32>} : memref<1040xi32, #tpu.memory_space<vmem>>, vector<16xi32>,
    %swap3A_21 = arith.constant 144 : index
    %swap3A_22 = tpu.vector_load %arg7[%swap3A_21] {strides = array<i32>} : memref<1040xi32, #tpu.memory_space<vmem>>, vector<16xi32>,
    tpu.vector_store %arg7[%swap3A_21], %broadcast_in_dim3A_3 {strides = array<i32>} : memref<1040xi32, #tpu.memory_space<vmem>>, vector<16xi32>,
    %swap3A_23 = arith.constant 160 : index
    %swap3A_24 = tpu.vector_load %arg7[%swap3A_23] {strides = array<i32>} : memref<1040xi32, #tpu.memory_space<vmem>>, vector<16xi32>,
    tpu.vector_store %arg7[%swap3A_23], %broadcast_in_dim3A_3 {strides = array<i32>} : memref<1040xi32, #tpu.memory_space<vmem>>, vector<16xi32>,
    %swap3A_25 = arith.constant 176 : index
    %swap3A_26 = tpu.vector_load %arg7[%swap3A_25] {strides = array<i32>} : memref<1040xi32, #tpu.memory_space<vmem>>, vector<16xi32>,
    tpu.vector_store %arg7[%swap3A_25], %broadcast_in_dim3A_3 {strides = array<i32>} : memref<1040xi32, #tpu.memory_space<vmem>>, vector<16xi32>,
    %swap3A_27 = arith.constant 192 : index
    %swap3A_28 = tpu.vector_load %arg7[%swap3A_27] {strides = array<i32>} : memref<1040xi32, #tpu.memory_space<vmem>>, vector<16xi32>,
    tpu.vector_store %arg7[%swap3A_27], %broadcast_in_dim3A_3 {strides = array<i32>} : memref<1040xi32, #tpu.memory_space<vmem>>, vector<16xi32>,
    %swap3A_29 = arith.constant 208 : index
    %swap3A_30 = tpu.vector_load %arg7[%swap3A_29] {strides = array<i32>} : memref<1040xi32, #tpu.memory_space<vmem>>, vector<16xi32>,
    tpu.vector_store %arg7[%swap3A_29], %broadcast_in_dim3A_3 {strides = array<i32>} : memref<1040xi32, #tpu.memory_space<vmem>>, vector<16xi32>,
    %swap3A_31 = arith.constant 224 : index
    %swap3A_32 = tpu.vector_load %arg7[%swap3A_31] {strides = array<i32>} : memref<1040xi32, #tpu.memory_space<vmem>>, vector<16xi32>,
    tpu.vector_store %arg7[%swap3A_31], %broadcast_in_dim3A_3 {strides = array<i32>} : memref<1040xi32, #tpu.memory_space<vmem>>, vector<16xi32>,
    %swap3A_33 = arith.constant 240 : index
    %swap3A_34 = tpu.vector_load %arg7[%swap3A_33] {strides = array<i32>} : memref<1040xi32, #tpu.memory_space<vmem>>, vector<16xi32>,
    tpu.vector_store %arg7[%swap3A_33], %broadcast_in_dim3A_3 {strides = array<i32>} : memref<1040xi32, #tpu.memory_space<vmem>>, vector<16xi32>,
    %swap3A_35 = arith.constant 256 : index
    %swap3A_36 = tpu.vector_load %arg7[%swap3A_35] {strides = array<i32>} : memref<1040xi32, #tpu.memory_space<vmem>>, vector<16xi32>,
    tpu.vector_store %arg7[%swap3A_35], %broadcast_in_dim3A_3 {strides = array<i32>} : memref<1040xi32, #tpu.memory_space<vmem>>, vector<16xi32>,
    %swap3A_37 = arith.constant 272 : index
    %swap3A_38 = tpu.vector_load %arg7[%swap3A_37] {strides = array<i32>} : memref<1040xi32, #tpu.memory_space<vmem>>, vector<16xi32>,
    tpu.vector_store %arg7[%swap3A_37], %broadcast_in_dim3A_3 {strides = array<i32>} : memref<1040xi32, #tpu.memory_space<vmem>>, vector<16xi32>,
    %swap3A_39 = arith.constant 288 : index
    %swap3A_40 = tpu.vector_load %arg7[%swap3A_39] {strides = array<i32>} : memref<1040xi32, #tpu.memory_space<vmem>>, vector<16xi32>,
    tpu.vector_store %arg7[%swap3A_39], %broadcast_in_dim3A_3 {strides = array<i32>} : memref<1040xi32, #tpu.memory_space<vmem>>, vector<16xi32>,
    %swap3A_41 = arith.constant 304 : index
    %swap3A_42 = tpu.vector_load %arg7[%swap3A_41] {strides = array<i32>} : memref<1040xi32, #tpu.memory_space<vmem>>, vector<16xi32>,
    tpu.vector_store %arg7[%swap3A_41], %broadcast_in_dim3A_3 {strides = array<i32>} : memref<1040xi32, #tpu.memory_space<vmem>>, vector<16xi32>,
    %swap3A_43 = arith.constant 320 : index
    %swap3A_44 = tpu.vector_load %arg7[%swap3A_43] {strides = array<i32>} : memref<1040xi32, #tpu.memory_space<vmem>>, vector<16xi32>,
    tpu.vector_store %arg7[%swap3A_43], %broadcast_in_dim3A_3 {strides = array<i32>} : memref<1040xi32, #tpu.memory_space<vmem>>, vector<16xi32>,
    %swap3A_45 = arith.constant 336 : index
    %swap3A_46 = tpu.vector_load %arg7[%swap3A_45] {strides = array<i32>} : memref<1040xi32, #tpu.memory_space<vmem>>, vector<16xi32>,
    tpu.vector_store %arg7[%swap3A_45], %broadcast_in_dim3A_3 {strides = array<i32>} : memref<1040xi32, #tpu.memory_space<vmem>>, vector<16xi32>,
    %swap3A_47 = arith.constant 352 : index
    %swap3A_48 = tpu.vector_load %arg7[%swap3A_47] {strides = array<i32>} : memref<1040xi32, #tpu.memory_space<vmem>>, vector<16xi32>,
    tpu.vector_store %arg7[%swap3A_47], %broadcast_in_dim3A_3 {strides = array<i32>} : memref<1040xi32, #tpu.memory_space<vmem>>, vector<16xi32>,
    %swap3A_49 = arith.constant 368 : index
    %swap3A_50 = tpu.vector_load %arg7[%swap3A_49] {strides = array<i32>} : memref<1040xi32, #tpu.memory_space<vmem>>, vector<16xi32>,
    tpu.vector_store %arg7[%swap3A_49], %broadcast_in_dim3A_3 {strides = array<i32>} : memref<1040xi32, #tpu.memory_space<vmem>>, vector<16xi32>,
    %swap3A_51 = arith.constant 384 : index
    %swap3A_52 = tpu.vector_load %arg7[%swap3A_51] {strides = array<i32>} : memref<1040xi32, #tpu.memory_space<vmem>>, vector<16xi32>,
    tpu.vector_store %arg7[%swap3A_51], %broadcast_in_dim3A_3 {strides = array<i32>} : memref<1040xi32, #tpu.memory_space<vmem>>, vector<16xi32>,
    %swap3A_53 = arith.constant 400 : index
    %swap3A_54 = tpu.vector_load %arg7[%swap3A_53] {strides = array<i32>} : memref<1040xi32, #tpu.memory_space<vmem>>, vector<16xi32>,
    tpu.vector_store %arg7[%swap3A_53], %broadcast_in_dim3A_3 {strides = array<i32>} : memref<1040xi32, #tpu.memory_space<vmem>>, vector<16xi32>,
    %swap3A_55 = arith.constant 416 : index
    %swap3A_56 = tpu.vector_load %arg7[%swap3A_55] {strides = array<i32>} : memref<1040xi32, #tpu.memory_space<vmem>>, vector<16xi32>,
    tpu.vector_store %arg7[%swap3A_55], %broadcast_in_dim3A_3 {strides = array<i32>} : memref<1040xi32, #tpu.memory_space<vmem>>, vector<16xi32>,
    %swap3A_57 = arith.constant 432 : index
    %swap3A_58 = tpu.vector_load %arg7[%swap3A_57] {strides = array<i32>} : memref<1040xi32, #tpu.memory_space<vmem>>, vector<16xi32>,
    tpu.vector_store %arg7[%swap3A_57], %broadcast_in_dim3A_3 {strides = array<i32>} : memref<1040xi32, #tpu.memory_space<vmem>>, vector<16xi32>,
    %swap3A_59 = arith.constant 448 : index
    %swap3A_60 = tpu.vector_load %arg7[%swap3A_59] {strides = array<i32>} : memref<1040xi32, #tpu.memory_space<vmem>>, vector<16xi32>,
    tpu.vector_store %arg7[%swap3A_59], %broadcast_in_dim3A_3 {strides = array<i32>} : memref<1040xi32, #tpu.memory_space<vmem>>, vector<16xi32>,
    %swap3A_61 = arith.constant 464 : index
    %swap3A_62 = tpu.vector_load %arg7[%swap3A_61] {strides = array<i32>} : memref<1040xi32, #tpu.memory_space<vmem>>, vector<16xi32>,
    tpu.vector_store %arg7[%swap3A_61], %broadcast_in_dim3A_3 {strides = array<i32>} : memref<1040xi32, #tpu.memory_space<vmem>>, vector<16xi32>,
    %swap3A_63 = arith.constant 480 : index
    %swap3A_64 = tpu.vector_load %arg7[%swap3A_63] {strides = array<i32>} : memref<1040xi32, #tpu.memory_space<vmem>>, vector<16xi32>,
    tpu.vector_store %arg7[%swap3A_63], %broadcast_in_dim3A_3 {strides = array<i32>} : memref<1040xi32, #tpu.memory_space<vmem>>, vector<16xi32>,
    %swap3A_65 = arith.constant 496 : index
    %swap3A_66 = tpu.vector_load %arg7[%swap3A_65] {strides = array<i32>} : memref<1040xi32, #tpu.memory_space<vmem>>, vector<16xi32>,
    tpu.vector_store %arg7[%swap3A_65], %broadcast_in_dim3A_3 {strides = array<i32>} : memref<1040xi32, #tpu.memory_space<vmem>>, vector<16xi32>,
    %swap3A_67 = arith.constant 512 : index
    %swap3A_68 = tpu.vector_load %arg7[%swap3A_67] {strides = array<i32>} : memref<1040xi32, #tpu.memory_space<vmem>>, vector<16xi32>,
    tpu.vector_store %arg7[%swap3A_67], %broadcast_in_dim3A_3 {strides = array<i32>} : memref<1040xi32, #tpu.memory_space<vmem>>, vector<16xi32>,
    %swap3A_69 = arith.constant 528 : index
    %swap3A_70 = tpu.vector_load %arg7[%swap3A_69] {strides = array<i32>} : memref<1040xi32, #tpu.memory_space<vmem>>, vector<16xi32>,
    tpu.vector_store %arg7[%swap3A_69], %broadcast_in_dim3A_3 {strides = array<i32>} : memref<1040xi32, #tpu.memory_space<vmem>>, vector<16xi32>,
    %swap3A_71 = arith.constant 544 : index
    %swap3A_72 = tpu.vector_load %arg7[%swap3A_71] {strides = array<i32>} : memref<1040xi32, #tpu.memory_space<vmem>>, vector<16xi32>,
    tpu.vector_store %arg7[%swap3A_71], %broadcast_in_dim3A_3 {strides = array<i32>} : memref<1040xi32, #tpu.memory_space<vmem>>, vector<16xi32>,
    %swap3A_73 = arith.constant 560 : index
    %swap3A_74 = tpu.vector_load %arg7[%swap3A_73] {strides = array<i32>} : memref<1040xi32, #tpu.memory_space<vmem>>, vector<16xi32>,
    tpu.vector_store %arg7[%swap3A_73], %broadcast_in_dim3A_3 {strides = array<i32>} : memref<1040xi32, #tpu.memory_space<vmem>>, vector<16xi32>,
    %swap3A_75 = arith.constant 576 : index
    %swap3A_76 = tpu.vector_load %arg7[%swap3A_75] {strides = array<i32>} : memref<1040xi32, #tpu.memory_space<vmem>>, vector<16xi32>,
    tpu.vector_store %arg7[%swap3A_75], %broadcast_in_dim3A_3 {strides = array<i32>} : memref<1040xi32, #tpu.memory_space<vmem>>, vector<16xi32>,
    %swap3A_77 = arith.constant 592 : index
    %swap3A_78 = tpu.vector_load %arg7[%swap3A_77] {strides = array<i32>} : memref<1040xi32, #tpu.memory_space<vmem>>, vector<16xi32>,
    tpu.vector_store %arg7[%swap3A_77], %broadcast_in_dim3A_3 {strides = array<i32>} : memref<1040xi32, #tpu.memory_space<vmem>>, vector<16xi32>,
    %swap3A_79 = arith.constant 608 : index
    %swap3A_80 = tpu.vector_load %arg7[%swap3A_79] {strides = array<i32>} : memref<1040xi32, #tpu.memory_space<vmem>>, vector<16xi32>,
    tpu.vector_store %arg7[%swap3A_79], %broadcast_in_dim3A_3 {strides = array<i32>} : memref<1040xi32, #tpu.memory_space<vmem>>, vector<16xi32>,
    %swap3A_81 = arith.constant 624 : index
    %swap3A_82 = tpu.vector_load %arg7[%swap3A_81] {strides = array<i32>} : memref<1040xi32, #tpu.memory_space<vmem>>, vector<16xi32>,
    tpu.vector_store %arg7[%swap3A_81], %broadcast_in_dim3A_3 {strides = array<i32>} : memref<1040xi32, #tpu.memory_space<vmem>>, vector<16xi32>,
    %swap3A_83 = arith.constant 640 : index
    %swap3A_84 = tpu.vector_load %arg7[%swap3A_83] {strides = array<i32>} : memref<1040xi32, #tpu.memory_space<vmem>>, vector<16xi32>,
    tpu.vector_store %arg7[%swap3A_83], %broadcast_in_dim3A_3 {strides = array<i32>} : memref<1040xi32, #tpu.memory_space<vmem>>, vector<16xi32>,
    %swap3A_85 = arith.constant 656 : index
    %swap3A_86 = tpu.vector_load %arg7[%swap3A_85] {strides = array<i32>} : memref<1040xi32, #tpu.memory_space<vmem>>, vector<16xi32>,
    tpu.vector_store %arg7[%swap3A_85], %broadcast_in_dim3A_3 {strides = array<i32>} : memref<1040xi32, #tpu.memory_space<vmem>>, vector<16xi32>,
    %swap3A_87 = arith.constant 672 : index
    %swap3A_88 = tpu.vector_load %arg7[%swap3A_87] {strides = array<i32>} : memref<1040xi32, #tpu.memory_space<vmem>>, vector<16xi32>,
    tpu.vector_store %arg7[%swap3A_87], %broadcast_in_dim3A_3 {strides = array<i32>} : memref<1040xi32, #tpu.memory_space<vmem>>, vector<16xi32>,
    %swap3A_89 = arith.constant 688 : index
    %swap3A_90 = tpu.vector_load %arg7[%swap3A_89] {strides = array<i32>} : memref<1040xi32, #tpu.memory_space<vmem>>, vector<16xi32>,
    tpu.vector_store %arg7[%swap3A_89], %broadcast_in_dim3A_3 {strides = array<i32>} : memref<1040xi32, #tpu.memory_space<vmem>>, vector<16xi32>,
    %swap3A_91 = arith.constant 704 : index
    %swap3A_92 = tpu.vector_load %arg7[%swap3A_91] {strides = array<i32>} : memref<1040xi32, #tpu.memory_space<vmem>>, vector<16xi32>,
    tpu.vector_store %arg7[%swap3A_91], %broadcast_in_dim3A_3 {strides = array<i32>} : memref<1040xi32, #tpu.memory_space<vmem>>, vector<16xi32>,
    %swap3A_93 = arith.constant 720 : index
    %swap3A_94 = tpu.vector_load %arg7[%swap3A_93] {strides = array<i32>} : memref<1040xi32, #tpu.memory_space<vmem>>, vector<16xi32>,
    tpu.vector_store %arg7[%swap3A_93], %broadcast_in_dim3A_3 {strides = array<i32>} : memref<1040xi32, #tpu.memory_space<vmem>>, vector<16xi32>,
    %swap3A_95 = arith.constant 736 : index
    %swap3A_96 = tpu.vector_load %arg7[%swap3A_95] {strides = array<i32>} : memref<1040xi32, #tpu.memory_space<vmem>>, vector<16xi32>,
    tpu.vector_store %arg7[%swap3A_95], %broadcast_in_dim3A_3 {strides = array<i32>} : memref<1040xi32, #tpu.memory_space<vmem>>, vector<16xi32>,
    %swap3A_97 = arith.constant 752 : index
    %swap3A_98 = tpu.vector_load %arg7[%swap3A_97] {strides = array<i32>} : memref<1040xi32, #tpu.memory_space<vmem>>, vector<16xi32>,
    tpu.vector_store %arg7[%swap3A_97], %broadcast_in_dim3A_3 {strides = array<i32>} : memref<1040xi32, #tpu.memory_space<vmem>>, vector<16xi32>,
    %swap3A_99 = arith.constant 768 : index
    %swap3A_100 = tpu.vector_load %arg7[%swap3A_99] {strides = array<i32>} : memref<1040xi32, #tpu.memory_space<vmem>>, vector<16xi32>,
    tpu.vector_store %arg7[%swap3A_99], %broadcast_in_dim3A_3 {strides = array<i32>} : memref<1040xi32, #tpu.memory_space<vmem>>, vector<16xi32>,
    %swap3A_101 = arith.constant 784 : index
    %swap3A_102 = tpu.vector_load %arg7[%swap3A_101] {strides = array<i32>} : memref<1040xi32, #tpu.memory_space<vmem>>, vector<16xi32>,
    tpu.vector_store %arg7[%swap3A_101], %broadcast_in_dim3A_3 {strides = array<i32>} : memref<1040xi32, #tpu.memory_space<vmem>>, vector<16xi32>,
    %swap3A_103 = arith.constant 800 : index
    %swap3A_104 = tpu.vector_load %arg7[%swap3A_103] {strides = array<i32>} : memref<1040xi32, #tpu.memory_space<vmem>>, vector<16xi32>,
    tpu.vector_store %arg7[%swap3A_103], %broadcast_in_dim3A_3 {strides = array<i32>} : memref<1040xi32, #tpu.memory_space<vmem>>, vector<16xi32>,
    %swap3A_105 = arith.constant 816 : index
    %swap3A_106 = tpu.vector_load %arg7[%swap3A_105] {strides = array<i32>} : memref<1040xi32, #tpu.memory_space<vmem>>, vector<16xi32>,
    tpu.vector_store %arg7[%swap3A_105], %broadcast_in_dim3A_3 {strides = array<i32>} : memref<1040xi32, #tpu.memory_space<vmem>>, vector<16xi32>,
    %swap3A_107 = arith.constant 832 : index
    %swap3A_108 = tpu.vector_load %arg7[%swap3A_107] {strides = array<i32>} : memref<1040xi32, #tpu.memory_space<vmem>>, vector<16xi32>,
    tpu.vector_store %arg7[%swap3A_107], %broadcast_in_dim3A_3 {strides = array<i32>} : memref<1040xi32, #tpu.memory_space<vmem>>, vector<16xi32>,
    %swap3A_109 = arith.constant 848 : index
    %swap3A_110 = tpu.vector_load %arg7[%swap3A_109] {strides = array<i32>} : memref<1040xi32, #tpu.memory_space<vmem>>, vector<16xi32>,
    tpu.vector_store %arg7[%swap3A_109], %broadcast_in_dim3A_3 {strides = array<i32>} : memref<1040xi32, #tpu.memory_space<vmem>>, vector<16xi32>,
    %swap3A_111 = arith.constant 864 : index
    %swap3A_112 = tpu.vector_load %arg7[%swap3A_111] {strides = array<i32>} : memref<1040xi32, #tpu.memory_space<vmem>>, vector<16xi32>,
    tpu.vector_store %arg7[%swap3A_111], %broadcast_in_dim3A_3 {strides = array<i32>} : memref<1040xi32, #tpu.memory_space<vmem>>, vector<16xi32>,
    %swap3A_113 = arith.constant 880 : index
    %swap3A_114 = tpu.vector_load %arg7[%swap3A_113] {strides = array<i32>} : memref<1040xi32, #tpu.memory_space<vmem>>, vector<16xi32>,
    tpu.vector_store %arg7[%swap3A_113], %broadcast_in_dim3A_3 {strides = array<i32>} : memref<1040xi32, #tpu.memory_space<vmem>>, vector<16xi32>,
    %swap3A_115 = arith.constant 896 : index
    %swap3A_116 = tpu.vector_load %arg7[%swap3A_115] {strides = array<i32>} : memref<1040xi32, #tpu.memory_space<vmem>>, vector<16xi32>,
    tpu.vector_store %arg7[%swap3A_115], %broadcast_in_dim3A_3 {strides = array<i32>} : memref<1040xi32, #tpu.memory_space<vmem>>, vector<16xi32>,
    %swap3A_117 = arith.constant 912 : index
    %swap3A_118 = tpu.vector_load %arg7[%swap3A_117] {strides = array<i32>} : memref<1040xi32, #tpu.memory_space<vmem>>, vector<16xi32>,
    tpu.vector_store %arg7[%swap3A_117], %broadcast_in_dim3A_3 {strides = array<i32>} : memref<1040xi32, #tpu.memory_space<vmem>>, vector<16xi32>,
    %swap3A_119 = arith.constant 928 : index
    %swap3A_120 = tpu.vector_load %arg7[%swap3A_119] {strides = array<i32>} : memref<1040xi32, #tpu.memory_space<vmem>>, vector<16xi32>,
    tpu.vector_store %arg7[%swap3A_119], %broadcast_in_dim3A_3 {strides = array<i32>} : memref<1040xi32, #tpu.memory_space<vmem>>, vector<16xi32>,
    %swap3A_121 = arith.constant 944 : index
    %swap3A_122 = tpu.vector_load %arg7[%swap3A_121] {strides = array<i32>} : memref<1040xi32, #tpu.memory_space<vmem>>, vector<16xi32>,
    tpu.vector_store %arg7[%swap3A_121], %broadcast_in_dim3A_3 {strides = array<i32>} : memref<1040xi32, #tpu.memory_space<vmem>>, vector<16xi32>,
    %swap3A_123 = arith.constant 960 : index
    %swap3A_124 = tpu.vector_load %arg7[%swap3A_123] {strides = array<i32>} : memref<1040xi32, #tpu.memory_space<vmem>>, vector<16xi32>,
    tpu.vector_store %arg7[%swap3A_123], %broadcast_in_dim3A_3 {strides = array<i32>} : memref<1040xi32, #tpu.memory_space<vmem>>, vector<16xi32>,
    %swap3A_125 = arith.constant 976 : index
    %swap3A_126 = tpu.vector_load %arg7[%swap3A_125] {strides = array<i32>} : memref<1040xi32, #tpu.memory_space<vmem>>, vector<16xi32>,
    tpu.vector_store %arg7[%swap3A_125], %broadcast_in_dim3A_3 {strides = array<i32>} : memref<1040xi32, #tpu.memory_space<vmem>>, vector<16xi32>,
    %swap3A_127 = arith.constant 992 : index
    %swap3A_128 = tpu.vector_load %arg7[%swap3A_127] {strides = array<i32>} : memref<1040xi32, #tpu.memory_space<vmem>>, vector<16xi32>,
    tpu.vector_store %arg7[%swap3A_127], %broadcast_in_dim3A_3 {strides = array<i32>} : memref<1040xi32, #tpu.memory_space<vmem>>, vector<16xi32>,
    %swap3A_129 = arith.constant 1008 : index
    %swap3A_130 = tpu.vector_load %arg7[%swap3A_129] {strides = array<i32>} : memref<1040xi32, #tpu.memory_space<vmem>>, vector<16xi32>,
    tpu.vector_store %arg7[%swap3A_129], %broadcast_in_dim3A_3 {strides = array<i32>} : memref<1040xi32, #tpu.memory_space<vmem>>, vector<16xi32>,
    %swap3A_131 = arith.constant 1024 : index
    %swap3A_132 = tpu.vector_load %arg7[%swap3A_131] {strides = array<i32>} : memref<1040xi32, #tpu.memory_space<vmem>>, vector<16xi32>,
    tpu.vector_store %arg7[%swap3A_131], %broadcast_in_dim3A_3 {strides = array<i32>} : memref<1040xi32, #tpu.memory_space<vmem>>, vector<16xi32>,
    %mul3A_133 = arith.constant 4096 : i32
    %mul3A_134 = arith.muli %add3A, %mul3A_133 : i32
    %mul3A_135 = arith.constant 128 : i32
    %mul3A_136 = arith.muli %mul3A_134, %mul3A_135 : i32
    %dma_start3A = arith.constant 0 : i32
    %dma_start3A_137 = tpu.memref_slice %arg4[%dma_start3A] : memref<32768xf32, #tpu.memory_space<vmem>> -> memref<16384xf32, #tpu.memory_space<vmem>>
    %dma_start3A_138 = tpu.memref_slice %arg2[%mul3A_136] : memref<16777216xf32, #tpu.memory_space<hbm>> -> memref<16384xf32, #tpu.memory_space<hbm>>
    %dma_start3A_139 = arith.constant 0 : i32
    %dma_start3A_140 = tpu.memref_slice %arg4[%dma_start3A_139] : memref<32768xf32, #tpu.memory_space<vmem>> -> memref<16384xf32, #tpu.memory_space<vmem>>
    %dma_start3A_141 = tpu.memref_slice %arg2[%mul3A_136] : memref<16777216xf32, #tpu.memory_space<hbm>> -> memref<16384xf32, #tpu.memory_space<hbm>>
    tpu.enqueue_dma source(%dma_start3A_141 : memref<16384xf32, #tpu.memory_space<hbm>>) target(%dma_start3A_140 : memref<16384xf32, #tpu.memory_space<vmem>>) target_semaphore(%arg10 : memref<!tpu.dma_semaphore, #tpu.memory_space<semaphore_mem>>)
    %scan3A = arith.constant 0 : i32
    %scan3A_142 = arith.constant 32 : i32
    %scan3A_143 = arith.addi %scan3A, %scan3A_142 : i32
    %scan3A_144 = arith.constant 1 : i32
    scf.for %scan3A_161 = %scan3A to %scan3A_143 step %scan3A_144  : i32 {
      %mul3A_162 = arith.constant 1 : i32
      %mul3A_163 = arith.muli %scan3A_161, %mul3A_162 : i32
      %add3A_164 = arith.constant 0 : i32
      %add3A_165 = arith.addi %add3A_164, %mul3A_163 : i32
      %mul3A_166 = arith.constant 4096 : i32
      %mul3A_167 = arith.muli %add3A, %mul3A_166 : i32
      %mul3A_168 = arith.constant 128 : i32
      %mul3A_169 = arith.muli %add3A_165, %mul3A_168 : i32
      %add3A_170 = arith.addi %mul3A_167, %mul3A_169 : i32
      %and3A = arith.constant 1 : i32
      %and3A_171 = arith.andi %add3A_165, %and3A : i32
      %mul3A_172 = arith.constant 16384 : i32
      %mul3A_173 = arith.muli %and3A_171, %mul3A_172 : i32
      %and3A_174 = arith.constant 1 : i32
      %and3A_175 = arith.andi %add3A_165, %and3A_174 : i32
      %mul3A_176 = arith.constant 16384 : i32
      %mul3A_177 = arith.muli %and3A_175, %mul3A_176 : i32
      %dma_wait3A_178 = arith.constant 0 : i32
      %dma_wait3A_179 = tpu.memref_slice %arg4[%dma_wait3A_178] : memref<32768xf32, #tpu.memory_space<vmem>> -> memref<16384xf32, #tpu.memory_space<vmem>>
      %dma_wait3A_180 = arith.constant 0 : i32
      %dma_wait3A_181 = tpu.memref_slice %arg2[%dma_wait3A_180] : memref<16777216xf32, #tpu.memory_space<hbm>> -> memref<16384xf32, #tpu.memory_space<hbm>>
      %dma_wait3A_182 = arith.constant 0 : i32
      %dma_wait3A_183 = tpu.memref_slice %arg4[%dma_wait3A_182] : memref<32768xf32, #tpu.memory_space<vmem>> -> memref<16384xf32, #tpu.memory_space<vmem>>
      %dma_wait3A_184 = arith.constant 0 : i32
      %dma_wait3A_185 = tpu.memref_slice %arg2[%dma_wait3A_184] : memref<16777216xf32, #tpu.memory_space<hbm>> -> memref<16384xf32, #tpu.memory_space<hbm>>
      tpu.wait_dma2 semaphore(%arg10 : memref<!tpu.dma_semaphore, #tpu.memory_space<semaphore_mem>>) src(%dma_wait3A_185 : memref<16384xf32, #tpu.memory_space<hbm>>) dst(%dma_wait3A_183 : memref<16384xf32, #tpu.memory_space<vmem>>)
      %add3A_186 = arith.constant 1 : i32
      %add3A_187 = arith.addi %add3A_165, %add3A_186 : i32
      %lt3A = arith.constant 32 : i32
      %lt3A_188 = arith.cmpi slt, %add3A_187, %lt3A : i32
      %convert_element_type3A = arith.extui %lt3A_188 : i1 to i32
      %cond3A = arith.constant 0 : i32
      %cond3A_189 = arith.cmpi ne, %convert_element_type3A, %cond3A : i32
      scf.if %cond3A_189 {
        %add3A_205 = arith.constant 128 : i32
        %add3A_206 = arith.addi %add3A_170, %add3A_205 : i32
        %mul3A_207 = arith.constant 128 : i32
        %mul3A_208 = arith.muli %add3A_206, %mul3A_207 : i32
        %sub3A = arith.constant 16384 : i32
        %sub3A_209 = arith.subi %sub3A, %mul3A_173 : i32
        %dma_start3A_210 = tpu.memref_slice %arg4[%sub3A_209] : memref<32768xf32, #tpu.memory_space<vmem>> -> memref<16384xf32, #tpu.memory_space<vmem>>
        %dma_start3A_211 = tpu.memref_slice %arg2[%mul3A_208] : memref<16777216xf32, #tpu.memory_space<hbm>> -> memref<16384xf32, #tpu.memory_space<hbm>>
        %dma_start3A_212 = tpu.memref_slice %arg4[%sub3A_209] : memref<32768xf32, #tpu.memory_space<vmem>> -> memref<16384xf32, #tpu.memory_space<vmem>>
        %dma_start3A_213 = tpu.memref_slice %arg2[%mul3A_208] : memref<16777216xf32, #tpu.memory_space<hbm>> -> memref<16384xf32, #tpu.memory_space<hbm>>
        tpu.enqueue_dma source(%dma_start3A_213 : memref<16384xf32, #tpu.memory_space<hbm>>) target(%dma_start3A_212 : memref<16384xf32, #tpu.memory_space<vmem>>) target_semaphore(%arg10 : memref<!tpu.dma_semaphore, #tpu.memory_space<semaphore_mem>>)
      } else {
      }
      %ge3A = arith.constant 2 : i32
      %ge3A_190 = arith.cmpi sge, %add3A_165, %ge3A : i32
      %convert_element_type3A_191 = arith.extui %ge3A_190 : i1 to i32
      %cond3A_192 = arith.constant 0 : i32
      %cond3A_193 = arith.cmpi ne, %convert_element_type3A_191, %cond3A_192 : i32
      scf.if %cond3A_193 {
        %dma_wait3A_205 = arith.constant 0 : i32
        %dma_wait3A_206 = tpu.memref_slice %arg5[%dma_wait3A_205] : memref<32768xf32, #tpu.memory_space<vmem>> -> memref<16384xf32, #tpu.memory_space<vmem>>
        %dma_wait3A_207 = arith.constant 0 : i32
        %dma_wait3A_208 = tpu.memref_slice %arg3[%dma_wait3A_207] : memref<16777216xf32, #tpu.memory_space<hbm>> -> memref<16384xf32, #tpu.memory_space<hbm>>
        %dma_wait3A_209 = arith.constant 0 : i32
        %dma_wait3A_210 = tpu.memref_slice %arg5[%dma_wait3A_209] : memref<32768xf32, #tpu.memory_space<vmem>> -> memref<16384xf32, #tpu.memory_space<vmem>>
        %dma_wait3A_211 = arith.constant 0 : i32
        %dma_wait3A_212 = tpu.memref_slice %arg3[%dma_wait3A_211] : memref<16777216xf32, #tpu.memory_space<hbm>> -> memref<16384xf32, #tpu.memory_space<hbm>>
        tpu.wait_dma2 semaphore(%arg11 : memref<!tpu.dma_semaphore, #tpu.memory_space<semaphore_mem>>) src(%dma_wait3A_212 : memref<16384xf32, #tpu.memory_space<hbm>>) dst(%dma_wait3A_210 : memref<16384xf32, #tpu.memory_space<vmem>>)
      } else {
      }
      %scan3A_194 = arith.constant 0 : i32
      %scan3A_195 = arith.constant 8 : i32
      %scan3A_196 = arith.addi %scan3A_194, %scan3A_195 : i32
      %scan3A_197 = arith.constant 1 : i32
      scf.for %scan3A_205 = %scan3A_194 to %scan3A_196 step %scan3A_197  : i32 {
        %mul3A_206 = arith.constant 1 : i32
        %mul3A_207 = arith.muli %scan3A_205, %mul3A_206 : i32
        %add3A_208 = arith.constant 0 : i32
        %add3A_209 = arith.addi %add3A_208, %mul3A_207 : i32
        %mul3A_210 = arith.constant 16 : i32
        %mul3A_211 = arith.muli %add3A_209, %mul3A_210 : i32
        %add3A_212 = vector.broadcast %mul3A_211 : i32 to vector<16xi32>
        %add3A_213 = arith.addi %iota3A, %add3A_212 : vector<16xi32>
        %mul3A_214 = arith.constant 128 : i32
        %mul3A_215 = vector.broadcast %mul3A_214 : i32 to vector<16xi32>
        %mul3A_216 = arith.muli %add3A_213, %mul3A_215 : vector<16xi32>
        %add3A_217 = vector.broadcast %mul3A_173 : i32 to vector<16xi32>
        %add3A_218 = arith.addi %add3A_217, %mul3A_216 : vector<16xi32>
        %mul3A_219 = arith.constant 16 : i32
        %mul3A_220 = arith.muli %add3A_209, %mul3A_219 : i32
        %add3A_221 = vector.broadcast %mul3A_220 : i32 to vector<16xi32>
        %add3A_222 = arith.addi %iota3A, %add3A_221 : vector<16xi32>
        %mul3A_223 = arith.constant 128 : i32
        %mul3A_224 = vector.broadcast %mul3A_223 : i32 to vector<16xi32>
        %mul3A_225 = arith.muli %add3A_222, %mul3A_224 : vector<16xi32>
        %add3A_226 = vector.broadcast %mul3A_177 : i32 to vector<16xi32>
        %add3A_227 = arith.addi %add3A_226, %mul3A_225 : vector<16xi32>
        %broadcast_in_dim3A_228 = arith.constant 0.000000e+00 : f32
        %broadcast_in_dim3A_229 = vector.broadcast %broadcast_in_dim3A_228 : f32 to vector<16xf32>
        %broadcast_in_dim3A_230 = arith.constant 0.000000e+00 : f32
        %broadcast_in_dim3A_231 = vector.broadcast %broadcast_in_dim3A_230 : f32 to vector<16xf32>
        %parallel_loop3A = arith.constant 0 : i32
        %parallel_loop3A_232 = arith.constant 64 : i32
        %parallel_loop3A_233 = arith.constant 1 : i32
        %parallel_loop3A_234:2 = scf.for %parallel_loop3A_307 = %parallel_loop3A to %parallel_loop3A_232 step %parallel_loop3A_233 iter_args(%parallel_loop3A_308 = %broadcast_in_dim3A_229, %parallel_loop3A_309 = %broadcast_in_dim3A_231) -> (vector<16xf32>, vector<16xf32>)  : i32 {
          %parallel_loop3A_310 = vector.broadcast %parallel_loop3A_307 : i32 to vector<16xi32>
          %parallel_loop3A_311 = arith.addi %iota3A, %parallel_loop3A_310 : vector<16xi32>
          %parallel_loop3A_312 = arith.constant 63 : i32
          %parallel_loop3A_313 = vector.broadcast %parallel_loop3A_312 : i32 to vector<16xi32>
          %parallel_loop3A_314 = arith.andi %parallel_loop3A_311, %parallel_loop3A_313 : vector<16xi32>
          %parallel_loop3A_315 = arith.addi %add3A_218, %parallel_loop3A_314 : vector<16xi32>
          %parallel_loop3A_316 = tpu.vector_load_idx %arg4[%parallel_loop3A_315] : memref<32768xf32, #tpu.memory_space<vmem>>[vector<16xi32>], vector<16xf32>,
          %parallel_loop3A_317 = arith.constant 64 : i32
          %parallel_loop3A_318 = vector.broadcast %parallel_loop3A_317 : i32 to vector<16xi32>
          %parallel_loop3A_319 = arith.addi %parallel_loop3A_315, %parallel_loop3A_318 : vector<16xi32>
          %parallel_loop3A_320 = tpu.vector_load_idx %arg4[%parallel_loop3A_319] : memref<32768xf32, #tpu.memory_space<vmem>>[vector<16xi32>], vector<16xf32>,
          %parallel_loop3A_321 = arith.constant 6.400000e+01 : f32
          %parallel_loop3A_322 = vector.broadcast %parallel_loop3A_321 : f32 to vector<16xf32>
          %parallel_loop3A_323 = arith.mulf %parallel_loop3A_316, %parallel_loop3A_322 : vector<16xf32>
          %parallel_loop3A_324 = arith.fptosi %parallel_loop3A_323 : vector<16xf32> to vector<16xi32>
          %parallel_loop3A_325 = arith.sitofp %parallel_loop3A_324 : vector<16xi32> to vector<16xf32>
          %parallel_loop3A_326 = arith.cmpf olt, %parallel_loop3A_325, %parallel_loop3A_323 : vector<16xf32>
          %parallel_loop3A_327 = arith.extui %parallel_loop3A_326 : vector<16xi1> to vector<16xi32>
          %parallel_loop3A_328 = arith.addi %parallel_loop3A_324, %parallel_loop3A_327 : vector<16xi32>
          %parallel_loop3A_329 = arith.constant 16 : i32
          %parallel_loop3A_330 = vector.broadcast %parallel_loop3A_329 : i32 to vector<16xi32>
          %parallel_loop3A_331 = arith.muli %parallel_loop3A_328, %parallel_loop3A_330 : vector<16xi32>
          %parallel_loop3A_332 = arith.addi %parallel_loop3A_331, %iota3A : vector<16xi32>
          tpu.vector_store_idx %arg7[%parallel_loop3A_332], %broadcast_in_dim3A_1 {add = true} : memref<1040xi32, #tpu.memory_space<vmem>>[vector<16xi32>], vector<16xi32>,
          %parallel_loop3A_333 = arith.subf %parallel_loop3A_320, %parallel_loop3A_309 : vector<16xf32>
          %parallel_loop3A_334 = arith.subf %parallel_loop3A_316, %parallel_loop3A_308 : vector<16xf32>
          %parallel_loop3A_335 = arith.divf %parallel_loop3A_333, %parallel_loop3A_334 : vector<16xf32>
          %parallel_loop3A_336 = arith.mulf %parallel_loop3A_335, %parallel_loop3A_308 : vector<16xf32>
          %parallel_loop3A_337 = arith.subf %parallel_loop3A_309, %parallel_loop3A_336 : vector<16xf32>
          %parallel_loop3A_338 = arith.constant 16 : i32
          %parallel_loop3A_339 = vector.broadcast %parallel_loop3A_338 : i32 to vector<16xi32>
          %parallel_loop3A_340 = arith.muli %parallel_loop3A_314, %parallel_loop3A_339 : vector<16xi32>
          %parallel_loop3A_341 = arith.addi %parallel_loop3A_340, %iota3A : vector<16xi32>
          tpu.vector_store_idx %arg8[%parallel_loop3A_341], %parallel_loop3A_335 : memref<1040xf32, #tpu.memory_space<vmem>>[vector<16xi32>], vector<16xf32>,
          tpu.vector_store_idx %arg9[%parallel_loop3A_341], %parallel_loop3A_337 : memref<1040xf32, #tpu.memory_space<vmem>>[vector<16xi32>], vector<16xf32>,
          scf.yield %parallel_loop3A_316, %parallel_loop3A_320 : vector<16xf32>, vector<16xf32>
        } {sc.loop_unroll_factor = 8 : i64, sc.parallel_access}
        %add3A_235 = arith.addi %add3A_218, %iota3A : vector<16xi32>
        %gather3A = tpu.vector_load_idx %arg4[%add3A_235] : memref<32768xf32, #tpu.memory_space<vmem>>[vector<16xi32>], vector<16xf32>,
        %add3A_236 = arith.addi %add3A_218, %iota3A : vector<16xi32>
        %add3A_237 = arith.constant 64 : i32
        %add3A_238 = vector.broadcast %add3A_237 : i32 to vector<16xi32>
        %add3A_239 = arith.addi %add3A_236, %add3A_238 : vector<16xi32>
        %gather3A_240 = tpu.vector_load_idx %arg4[%add3A_239] : memref<32768xf32, #tpu.memory_space<vmem>>[vector<16xi32>], vector<16xf32>,
        %sub3A = arith.subf %gather3A_240, %parallel_loop3A_234#1 : vector<16xf32>
        %sub3A_241 = arith.subf %gather3A, %parallel_loop3A_234#0 : vector<16xf32>
        %div3A = arith.divf %sub3A, %sub3A_241 : vector<16xf32>
        %mul3A_242 = arith.mulf %div3A, %parallel_loop3A_234#0 : vector<16xf32>
        %sub3A_243 = arith.subf %parallel_loop3A_234#1, %mul3A_242 : vector<16xf32>
        %gt3A = arith.constant 0 : i32
        %gt3A_244 = vector.broadcast %gt3A : i32 to vector<16xi32>
        %gt3A_245 = arith.cmpi sgt, %iota3A, %gt3A_244 : vector<16xi32>
        %mul3A_246 = arith.constant 17 : i32
        %mul3A_247 = vector.broadcast %mul3A_246 : i32 to vector<16xi32>
        %mul3A_248 = arith.muli %iota3A, %mul3A_247 : vector<16xi32>
        tpu.vector_store_idx %arg8[%mul3A_248], %div3A masked %gt3A_245 : memref<1040xf32, #tpu.memory_space<vmem>>[vector<16xi32>], vector<16xf32>, vector<16xi1>
        %mul3A_249 = arith.constant 17 : i32
        %mul3A_250 = vector.broadcast %mul3A_249 : i32 to vector<16xi32>
        %mul3A_251 = arith.muli %iota3A, %mul3A_250 : vector<16xi32>
        tpu.vector_store_idx %arg9[%mul3A_251], %sub3A_243 masked %gt3A_245 : memref<1040xf32, #tpu.memory_space<vmem>>[vector<16xi32>], vector<16xf32>, vector<16xi1>
        %add3A_252 = arith.constant 0 : i32
        %add3A_253 = vector.broadcast %add3A_252 : i32 to vector<16xi32>
        %add3A_254 = arith.addi %add3A_218, %add3A_253 : vector<16xi32>
        %gather3A_255 = tpu.vector_load_idx %arg4[%add3A_254] : memref<32768xf32, #tpu.memory_space<vmem>>[vector<16xi32>], vector<16xf32>,
        %add3A_256 = arith.constant 64 : i32
        %add3A_257 = vector.broadcast %add3A_256 : i32 to vector<16xi32>
        %add3A_258 = arith.addi %add3A_218, %add3A_257 : vector<16xi32>
        %gather3A_259 = tpu.vector_load_idx %arg4[%add3A_258] : memref<32768xf32, #tpu.memory_space<vmem>>[vector<16xi32>], vector<16xf32>,
        %sub3A_260 = arith.constant 0.000000e+00 : f32
        %sub3A_261 = vector.broadcast %sub3A_260 : f32 to vector<16xf32>
        %sub3A_262 = arith.subf %gather3A_259, %sub3A_261 : vector<16xf32>
        %sub3A_263 = arith.constant -0.00999999977 : f32
        %sub3A_264 = vector.broadcast %sub3A_263 : f32 to vector<16xf32>
        %sub3A_265 = arith.subf %gather3A_255, %sub3A_264 : vector<16xf32>
        %div3A_266 = arith.divf %sub3A_262, %sub3A_265 : vector<16xf32>
        %swap3A_267 = arith.constant 0 : index
        %swap3A_268 = tpu.vector_load %arg8[%swap3A_267] {strides = array<i32>} : memref<1040xf32, #tpu.memory_space<vmem>>, vector<16xf32>,
        tpu.vector_store %arg8[%swap3A_267], %div3A_266 {strides = array<i32>} : memref<1040xf32, #tpu.memory_space<vmem>>, vector<16xf32>,
        %mul3A_269 = arith.constant -0.00999999977 : f32
        %mul3A_270 = vector.broadcast %mul3A_269 : f32 to vector<16xf32>
        %mul3A_271 = arith.mulf %div3A_266, %mul3A_270 : vector<16xf32>
        %sub3A_272 = arith.constant 0.000000e+00 : f32
        %sub3A_273 = vector.broadcast %sub3A_272 : f32 to vector<16xf32>
        %sub3A_274 = arith.subf %sub3A_273, %mul3A_271 : vector<16xf32>
        %swap3A_275 = arith.constant 0 : index
        %swap3A_276 = tpu.vector_load %arg9[%swap3A_275] {strides = array<i32>} : memref<1040xf32, #tpu.memory_space<vmem>>, vector<16xf32>,
        tpu.vector_store %arg9[%swap3A_275], %sub3A_274 {strides = array<i32>} : memref<1040xf32, #tpu.memory_space<vmem>>, vector<16xf32>,
        %add3A_277 = arith.constant 63 : i32
        %add3A_278 = vector.broadcast %add3A_277 : i32 to vector<16xi32>
        %add3A_279 = arith.addi %add3A_218, %add3A_278 : vector<16xi32>
        %gather3A_280 = tpu.vector_load_idx %arg4[%add3A_279] : memref<32768xf32, #tpu.memory_space<vmem>>[vector<16xi32>], vector<16xf32>,
        %add3A_281 = arith.constant 127 : i32
        %add3A_282 = vector.broadcast %add3A_281 : i32 to vector<16xi32>
        %add3A_283 = arith.addi %add3A_218, %add3A_282 : vector<16xi32>
        %gather3A_284 = tpu.vector_load_idx %arg4[%add3A_283] : memref<32768xf32, #tpu.memory_space<vmem>>[vector<16xi32>], vector<16xf32>,
        %sub3A_285 = arith.constant 0.000000e+00 : f32
        %sub3A_286 = vector.broadcast %sub3A_285 : f32 to vector<16xf32>
        %sub3A_287 = arith.subf %sub3A_286, %gather3A_284 : vector<16xf32>
        %sub3A_288 = arith.constant 1.010000e+00 : f32
        %sub3A_289 = vector.broadcast %sub3A_288 : f32 to vector<16xf32>
        %sub3A_290 = arith.subf %sub3A_289, %gather3A_280 : vector<16xf32>
        %div3A_291 = arith.divf %sub3A_287, %sub3A_290 : vector<16xf32>
        %swap3A_292 = arith.constant 1024 : index
        %swap3A_293 = tpu.vector_load %arg8[%swap3A_292] {strides = array<i32>} : memref<1040xf32, #tpu.memory_space<vmem>>, vector<16xf32>,
        tpu.vector_store %arg8[%swap3A_292], %div3A_291 {strides = array<i32>} : memref<1040xf32, #tpu.memory_space<vmem>>, vector<16xf32>,
        %mul3A_294 = arith.mulf %div3A_291, %gather3A_280 : vector<16xf32>
        %sub3A_295 = arith.subf %gather3A_284, %mul3A_294 : vector<16xf32>
        %swap3A_296 = arith.constant 1024 : index
        %swap3A_297 = tpu.vector_load %arg9[%swap3A_296] {strides = array<i32>} : memref<1040xf32, #tpu.memory_space<vmem>>, vector<16xf32>,
        tpu.vector_store %arg9[%swap3A_296], %sub3A_295 {strides = array<i32>} : memref<1040xf32, #tpu.memory_space<vmem>>, vector<16xf32>,
        %parallel_loop3A_298 = arith.constant 0 : i32
        %parallel_loop3A_299 = arith.constant 64 : i32
        %parallel_loop3A_300 = arith.constant 1 : i32
        %parallel_loop3A_301 = scf.for %parallel_loop3A_307 = %parallel_loop3A_298 to %parallel_loop3A_299 step %parallel_loop3A_300 iter_args(%parallel_loop3A_308 = %broadcast_in_dim3A_3) -> (vector<16xi32>)  : i32 {
          %parallel_loop3A_309 = arith.constant 16 : i32
          %parallel_loop3A_310 = arith.muli %parallel_loop3A_307, %parallel_loop3A_309 : i32
          %parallel_loop3A_311 = arith.index_cast %parallel_loop3A_310 : i32 to index
          %parallel_loop3A_312 = tpu.vector_load %arg7[%parallel_loop3A_311] {strides = array<i32>} : memref<1040xi32, #tpu.memory_space<vmem>>, vector<16xi32>,
          %parallel_loop3A_313 = arith.constant 16 : i32
          %parallel_loop3A_314 = arith.muli %parallel_loop3A_307, %parallel_loop3A_313 : i32
          %parallel_loop3A_315 = arith.index_cast %parallel_loop3A_314 : i32 to index
          %parallel_loop3A_316 = tpu.vector_load %arg7[%parallel_loop3A_315] {strides = array<i32>} : memref<1040xi32, #tpu.memory_space<vmem>>, vector<16xi32>,
          tpu.vector_store %arg7[%parallel_loop3A_315], %broadcast_in_dim3A_3 {strides = array<i32>} : memref<1040xi32, #tpu.memory_space<vmem>>, vector<16xi32>,
          %parallel_loop3A_317 = arith.addi %parallel_loop3A_308, %parallel_loop3A_312 : vector<16xi32>
          %parallel_loop3A_318 = arith.addi %parallel_loop3A_317, %iota3A : vector<16xi32>
          %parallel_loop3A_319 = tpu.vector_load_idx %arg8[%parallel_loop3A_318] : memref<1040xf32, #tpu.memory_space<vmem>>[vector<16xi32>], vector<16xf32>,
          %parallel_loop3A_320 = tpu.vector_load_idx %arg9[%parallel_loop3A_318] : memref<1040xf32, #tpu.memory_space<vmem>>[vector<16xi32>], vector<16xf32>,
          %parallel_loop3A_321 = arith.sitofp %parallel_loop3A_307 : i32 to f32
          %parallel_loop3A_322 = arith.constant 1.562500e-02 : f32
          %parallel_loop3A_323 = arith.mulf %parallel_loop3A_321, %parallel_loop3A_322 : f32
          %parallel_loop3A_324 = vector.broadcast %parallel_loop3A_323 : f32 to vector<16xf32>
          %parallel_loop3A_325 = arith.mulf %parallel_loop3A_319, %parallel_loop3A_324 : vector<16xf32>
          %parallel_loop3A_326 = arith.addf %parallel_loop3A_325, %parallel_loop3A_320 : vector<16xf32>
          %parallel_loop3A_327 = arith.constant 16 : i32
          %parallel_loop3A_328 = arith.muli %parallel_loop3A_307, %parallel_loop3A_327 : i32
          %parallel_loop3A_329 = arith.index_cast %parallel_loop3A_328 : i32 to index
          %parallel_loop3A_330 = tpu.vector_load %arg6[%parallel_loop3A_329] {strides = array<i32>} : memref<1024xf32, #tpu.memory_space<vmem>>, vector<16xf32>,
          tpu.vector_store %arg6[%parallel_loop3A_329], %parallel_loop3A_326 {strides = array<i32>} : memref<1024xf32, #tpu.memory_space<vmem>>, vector<16xf32>,
          scf.yield %parallel_loop3A_317 : vector<16xi32>
        } {sc.loop_unroll_factor = 8 : i64, sc.parallel_access}
        %swap3A_302 = arith.constant 1024 : index
        %swap3A_303 = tpu.vector_load %arg7[%swap3A_302] {strides = array<i32>} : memref<1040xi32, #tpu.memory_space<vmem>>, vector<16xi32>,
        tpu.vector_store %arg7[%swap3A_302], %broadcast_in_dim3A_3 {strides = array<i32>} : memref<1040xi32, #tpu.memory_space<vmem>>, vector<16xi32>,
        %parallel_loop3A_304 = arith.constant 0 : i32
        %parallel_loop3A_305 = arith.constant 16 : i32
        %parallel_loop3A_306 = arith.constant 1 : i32
        scf.for %parallel_loop3A_307 = %parallel_loop3A_304 to %parallel_loop3A_305 step %parallel_loop3A_306  : i32 {
          %parallel_loop3A_308 = vector.broadcast %parallel_loop3A_307 : i32 to vector<16xi32>
          %parallel_loop3A_309 = arith.addi %iota3A, %parallel_loop3A_308 : vector<16xi32>
          %parallel_loop3A_310 = arith.constant 15 : i32
          %parallel_loop3A_311 = vector.broadcast %parallel_loop3A_310 : i32 to vector<16xi32>
          %parallel_loop3A_312 = arith.andi %parallel_loop3A_309, %parallel_loop3A_311 : vector<16xi32>
          %parallel_loop3A_313 = arith.constant 16 : i32
          %parallel_loop3A_314 = vector.broadcast %parallel_loop3A_313 : i32 to vector<16xi32>
          %parallel_loop3A_315 = arith.muli %parallel_loop3A_312, %parallel_loop3A_314 : vector<16xi32>
          %parallel_loop3A_316 = arith.addi %parallel_loop3A_315, %iota3A : vector<16xi32>
          %parallel_loop3A_317 = arith.constant 0 : i32
          %parallel_loop3A_318 = vector.broadcast %parallel_loop3A_317 : i32 to vector<16xi32>
          %parallel_loop3A_319 = arith.addi %parallel_loop3A_316, %parallel_loop3A_318 : vector<16xi32>
          %parallel_loop3A_320 = tpu.vector_load_idx %arg6[%parallel_loop3A_319] : memref<1024xf32, #tpu.memory_space<vmem>>[vector<16xi32>], vector<16xf32>,
          %parallel_loop3A_321 = arith.addi %add3A_227, %parallel_loop3A_312 : vector<16xi32>
          %parallel_loop3A_322 = arith.constant 0 : i32
          %parallel_loop3A_323 = vector.broadcast %parallel_loop3A_322 : i32 to vector<16xi32>
          %parallel_loop3A_324 = arith.addi %parallel_loop3A_321, %parallel_loop3A_323 : vector<16xi32>
          tpu.vector_store_idx %arg5[%parallel_loop3A_324], %parallel_loop3A_320 : memref<32768xf32, #tpu.memory_space<vmem>>[vector<16xi32>], vector<16xf32>,
          %parallel_loop3A_325 = arith.addi %parallel_loop3A_315, %iota3A : vector<16xi32>
          %parallel_loop3A_326 = arith.constant 256 : i32
          %parallel_loop3A_327 = vector.broadcast %parallel_loop3A_326 : i32 to vector<16xi32>
          %parallel_loop3A_328 = arith.addi %parallel_loop3A_325, %parallel_loop3A_327 : vector<16xi32>
          %parallel_loop3A_329 = tpu.vector_load_idx %arg6[%parallel_loop3A_328] : memref<1024xf32, #tpu.memory_space<vmem>>[vector<16xi32>], vector<16xf32>,
          %parallel_loop3A_330 = arith.addi %add3A_227, %parallel_loop3A_312 : vector<16xi32>
          %parallel_loop3A_331 = arith.constant 16 : i32
          %parallel_loop3A_332 = vector.broadcast %parallel_loop3A_331 : i32 to vector<16xi32>
          %parallel_loop3A_333 = arith.addi %parallel_loop3A_330, %parallel_loop3A_332 : vector<16xi32>
          tpu.vector_store_idx %arg5[%parallel_loop3A_333], %parallel_loop3A_329 : memref<32768xf32, #tpu.memory_space<vmem>>[vector<16xi32>], vector<16xf32>,
          %parallel_loop3A_334 = arith.addi %parallel_loop3A_315, %iota3A : vector<16xi32>
          %parallel_loop3A_335 = arith.constant 512 : i32
          %parallel_loop3A_336 = vector.broadcast %parallel_loop3A_335 : i32 to vector<16xi32>
          %parallel_loop3A_337 = arith.addi %parallel_loop3A_334, %parallel_loop3A_336 : vector<16xi32>
          %parallel_loop3A_338 = tpu.vector_load_idx %arg6[%parallel_loop3A_337] : memref<1024xf32, #tpu.memory_space<vmem>>[vector<16xi32>], vector<16xf32>,
          %parallel_loop3A_339 = arith.addi %add3A_227, %parallel_loop3A_312 : vector<16xi32>
          %parallel_loop3A_340 = arith.constant 32 : i32
          %parallel_loop3A_341 = vector.broadcast %parallel_loop3A_340 : i32 to vector<16xi32>
          %parallel_loop3A_342 = arith.addi %parallel_loop3A_339, %parallel_loop3A_341 : vector<16xi32>
          tpu.vector_store_idx %arg5[%parallel_loop3A_342], %parallel_loop3A_338 : memref<32768xf32, #tpu.memory_space<vmem>>[vector<16xi32>], vector<16xf32>,
          %parallel_loop3A_343 = arith.addi %parallel_loop3A_315, %iota3A : vector<16xi32>
          %parallel_loop3A_344 = arith.constant 768 : i32
          %parallel_loop3A_345 = vector.broadcast %parallel_loop3A_344 : i32 to vector<16xi32>
          %parallel_loop3A_346 = arith.addi %parallel_loop3A_343, %parallel_loop3A_345 : vector<16xi32>
          %parallel_loop3A_347 = tpu.vector_load_idx %arg6[%parallel_loop3A_346] : memref<1024xf32, #tpu.memory_space<vmem>>[vector<16xi32>], vector<16xf32>,
          %parallel_loop3A_348 = arith.addi %add3A_227, %parallel_loop3A_312 : vector<16xi32>
          %parallel_loop3A_349 = arith.constant 48 : i32
          %parallel_loop3A_350 = vector.broadcast %parallel_loop3A_349 : i32 to vector<16xi32>
          %parallel_loop3A_351 = arith.addi %parallel_loop3A_348, %parallel_loop3A_350 : vector<16xi32>
          tpu.vector_store_idx %arg5[%parallel_loop3A_351], %parallel_loop3A_347 : memref<32768xf32, #tpu.memory_space<vmem>>[vector<16xi32>], vector<16xf32>,
        } {sc.loop_unroll_factor = 4 : i64, sc.parallel_access}
      }
      %scan3A_198 = arith.constant 8 : i32
      %mul3A_199 = arith.constant 128 : i32
      %mul3A_200 = arith.muli %add3A_170, %mul3A_199 : i32
      %dma_start3A_201 = tpu.memref_slice %arg5[%mul3A_177] : memref<32768xf32, #tpu.memory_space<vmem>> -> memref<16384xf32, #tpu.memory_space<vmem>>
      %dma_start3A_202 = tpu.memref_slice %arg3[%mul3A_200] : memref<16777216xf32, #tpu.memory_space<hbm>> -> memref<16384xf32, #tpu.memory_space<hbm>>
      %dma_start3A_203 = tpu.memref_slice %arg3[%mul3A_200] : memref<16777216xf32, #tpu.memory_space<hbm>> -> memref<16384xf32, #tpu.memory_space<hbm>>
      %dma_start3A_204 = tpu.memref_slice %arg5[%mul3A_177] : memref<32768xf32, #tpu.memory_space<vmem>> -> memref<16384xf32, #tpu.memory_space<vmem>>
      tpu.enqueue_dma source(%dma_start3A_204 : memref<16384xf32, #tpu.memory_space<vmem>>) target(%dma_start3A_203 : memref<16384xf32, #tpu.memory_space<hbm>>) target_semaphore(%arg11 : memref<!tpu.dma_semaphore, #tpu.memory_space<semaphore_mem>>)
    }
    %scan3A_145 = arith.constant 32 : i32
    %dma_wait3A = arith.constant 0 : i32
    %dma_wait3A_146 = tpu.memref_slice %arg5[%dma_wait3A] : memref<32768xf32, #tpu.memory_space<vmem>> -> memref<16384xf32, #tpu.memory_space<vmem>>
    %dma_wait3A_147 = arith.constant 0 : i32
    %dma_wait3A_148 = tpu.memref_slice %arg3[%dma_wait3A_147] : memref<16777216xf32, #tpu.memory_space<hbm>> -> memref<16384xf32, #tpu.memory_space<hbm>>
    %dma_wait3A_149 = arith.constant 0 : i32
    %dma_wait3A_150 = tpu.memref_slice %arg5[%dma_wait3A_149] : memref<32768xf32, #tpu.memory_space<vmem>> -> memref<16384xf32, #tpu.memory_space<vmem>>
    %dma_wait3A_151 = arith.constant 0 : i32
    %dma_wait3A_152 = tpu.memref_slice %arg3[%dma_wait3A_151] : memref<16777216xf32, #tpu.memory_space<hbm>> -> memref<16384xf32, #tpu.memory_space<hbm>>
    tpu.wait_dma2 semaphore(%arg11 : memref<!tpu.dma_semaphore, #tpu.memory_space<semaphore_mem>>) src(%dma_wait3A_152 : memref<16384xf32, #tpu.memory_space<hbm>>) dst(%dma_wait3A_150 : memref<16384xf32, #tpu.memory_space<vmem>>)
    %dma_wait3A_153 = arith.constant 0 : i32
    %dma_wait3A_154 = tpu.memref_slice %arg5[%dma_wait3A_153] : memref<32768xf32, #tpu.memory_space<vmem>> -> memref<16384xf32, #tpu.memory_space<vmem>>
    %dma_wait3A_155 = arith.constant 0 : i32
    %dma_wait3A_156 = tpu.memref_slice %arg3[%dma_wait3A_155] : memref<16777216xf32, #tpu.memory_space<hbm>> -> memref<16384xf32, #tpu.memory_space<hbm>>
    %dma_wait3A_157 = arith.constant 0 : i32
    %dma_wait3A_158 = tpu.memref_slice %arg5[%dma_wait3A_157] : memref<32768xf32, #tpu.memory_space<vmem>> -> memref<16384xf32, #tpu.memory_space<vmem>>
    %dma_wait3A_159 = arith.constant 0 : i32
    %dma_wait3A_160 = tpu.memref_slice %arg3[%dma_wait3A_159] : memref<16777216xf32, #tpu.memory_space<hbm>> -> memref<16384xf32, #tpu.memory_space<hbm>>
    tpu.wait_dma2 semaphore(%arg11 : memref<!tpu.dma_semaphore, #tpu.memory_space<semaphore_mem>>) src(%dma_wait3A_160 : memref<16384xf32, #tpu.memory_space<hbm>>) dst(%dma_wait3A_158 : memref<16384xf32, #tpu.memory_space<vmem>>)
    return
  }
}

</mosaic_0001>

<sc_bundles>
// kernel: kernel.3.cloned.1.call-start
scs
__scs_entry_jumppad:
0x0: {  	(pc) =	sbr.rel $0x88, $3  }
0x1: {  	(tag) =	ssettag $0x0;
	lr =	simm.s32 $0x1  }
0x2: {  	[smem:$0x3FA0] =	sst lr;
	_ =	strace $0xD0000000  }
0x3: {  	_ = 	snop  }
0x4: {  	_ = 	snop  }
0x5: {  	_ = 	snop  }
0x6: {  	_ = 	snop  }
0x7: {  	_ = 	snop  }
__scs_overlays_trampoline_lowered:
0x8: {  	[smem:$0x3FAF] =	sst s0  }
0x9: {  	[smem:$0x3FB0] =	sst s1  }
0xa: {  	[smem:$0x3FB1] =	sst s2  }
0xb: {  	[smem:$0x3FB2] =	sst s3  }
0xc: {  	[smem:$0x3FB3] =	sst s4  }
0xd: {  	[smem:$0x3FB4] =	sst s5  }
0xe: {  	[smem:$0x3FB5] =	sst s6  }
0xf: {  	[smem:$0x3FB6] =	sst s7  }
0x10: {  	[smem:$0x3FB7] =	sst s8  }
0x11: {  	[smem:$0x3FB8] =	sst s9;
	s0 =	simm.s32 @!p0 $0x0  }
0x12: {  	s1 =	sld [smem:$0x3F9E];
	s0 =	simm.s32 @p0 $0x1  }
0x13: {  	[smem:$0x3FB9] =	sst s0;
	s0 =	simm.s32 @!p1 $0x0  }
0x14: {  	s2 =	sld [smem:$0x3F9D];
	s0 =	simm.s32 @p1 $0x1  }
0x15: {  	[smem:$0x3FBA] =	sst s0;
	s0 =	simm.s32 @!p2 $0x0  }
0x16: {  	s3 =	sld [smem:$0x3FDB];
	s0 =	simm.s32 @p2 $0x1  }
0x17: {  	s4 =	simm.s32 $0x1BF5;
	[smem:$0x3FBC] =	sst s0  }
0x18: {  	s0 =	sld [smem:$0x3F9F];
	_ =	swait.ge [sflag:s4], $0x0  }
0x19: {  	s7 =	sld [smem:$0x3FA0]  }
0x1a: {  	s8 =	sadd.s32 $0xFFFFE003, lr  }
0x1b: {  	s9 =	sadd.s32 $0xFFFFFEF7, lr;
	s5 =	simm.s32 $0xFFFFFFFF;
	p2 =	slt.u32 s8, $0xFFFFF086  }
0x1c: {  	p1 =	slt.u32 s9, $0xF7A;
	s5 =	simm.s32 @!p2 $0x0  }
0x1d: {  	s5 =	simm.s32 @p1 $0x1;
	p0 =	seq.s32 s7, s2  }
0x1e: {  	s7 =	smul.u32 @!p0 $0xF7A, s2;
	p2 =	seq.s32 @!p0 s5, $0x0  }
0x1f: {  	s9 =	smul.u32 $0xF7A, s1;
	s8 =	simm.s32 @!p0 $0x1BF5;
	p2 =	por !p2, p0  }
0x20: {  	[sflag:s8] =	ssyncset.s32 @!p0 $0xFFFFF086;
	s6 =	sadd.s32 @!p0 s3, s7;
	s7 =	simm.s32 @!p0 $0x108  }
0x21: {  	s3 =	sadd.s32 s3, s9;
	s6 =	sadd.s32 @!p0 $0x88, s6;
	s7 =	simm.s32 @p2 $0x1082  }
0x22: {  	[simem:s7], [sflag:s8] =	dma.local @!p0 [hbm:s6], $0xF7A  }
0x23: {  	s9 =	sor.u32 $0xD0000000, s2;
	s6 =	simm.s32 $0x108;
	_ =	swait.ge @!p0 [sflag:s8], $0x0  }
0x24: {  	s3 =	sadd.s32 $0x88, s3;
	s6 =	simm.s32 @!p1 $0x1082;
	[sflag:s4] =	ssyncset.s32 $0xFFFFF086  }
0x25: {  	[simem:s6], [sflag:s4] =	dma.local [hbm:s3], $0xF7A  }
0x26: {  	[smem:$0x3FA0] =	sst s1;
	(tag) =	ssettag s2;
	_ =	strace s9  }
0x27: {  	s1 =	sld [smem:$0x3FB0]  }
0x28: {  	s2 =	sld [smem:$0x3FB1]  }
0x29: {  	s4 =	sld [smem:$0x3FB3]  }
0x2a: {  	p0 =	seq.s32 s5, $0x0;
	s5 =	sld [smem:$0x3FB4]  }
0x2b: {  	s6 =	sld [smem:$0x3FB5]  }
0x2c: {  	s7 =	sld [smem:$0x3FB6]  }
0x2d: {  	s3 =	simm.s32 $0x108;
	s8 =	sld [smem:$0x3FB7]  }
0x2e: {  	s3 =	simm.s32 @!p0 $0x1082;
	s9 =	sld [smem:$0x3FB8]  }
0x2f: {  	lr =	sadd.s32 s0, s3;
	s0 =	sld [smem:$0x3FAF]  }
0x30: {  	s3 =	sld [smem:$0x3FB2]  }
0x31: {  	[smem:$0x3FBB] =	sst s10  }
0x32: {  	s10 =	sld [smem:$0x3FB9];
	_ =	sdelay $0x3  }
0x33: {  	p0 =	seq.s32 s10, $0x1;
	s10 =	sld [smem:$0x3FBB];
	_ =	sdelay $0x3  }
0x34: {  	[smem:$0x3FBB] =	sst s10  }
0x35: {  	s10 =	sld [smem:$0x3FBA];
	_ =	sdelay $0x3  }
0x36: {  	p1 =	seq.s32 s10, $0x1;
	s10 =	sld [smem:$0x3FBB];
	_ =	sdelay $0x3  }
0x37: {  	[smem:$0x3FBB] =	sst s10  }
0x38: {  	s10 =	sld [smem:$0x3FBC]  }
0x39: {  	_ = 	snop;
	(pc) =	sbr.ind lr, $3  }
0x3a: {  	_ = 	snop  }
0x3b: {  	_ = 	snop  }
0x3c: {  	p2 =	seq.s32 s10, $0x1;
	s10 =	sld [smem:$0x3FBB]  }
0x3d: {  	_ =	shalt  }
0x3e: {  	_ =	shalt  }
0x3f: {  	_ =	shalt  }
0x40: {  	_ =	shalt  }
0x41: {  	_ =	shalt  }
0x42: {  	_ =	shalt  }
0x43: {  	_ =	shalt  }
0x44: {  	_ =	shalt  }
0x45: {  	_ =	shalt  }
0x46: {  	_ =	shalt  }
0x47: {  	_ =	shalt  }
0x48: {  	_ =	shalt  }
0x49: {  	_ =	shalt  }
0x4a: {  	_ =	shalt  }
0x4b: {  	_ =	shalt  }
0x4c: {  	_ =	shalt  }
0x4d: {  	_ =	shalt  }
0x4e: {  	_ =	shalt  }
0x4f: {  	_ =	shalt  }
0x50: {  	_ =	shalt  }
0x51: {  	_ =	shalt  }
0x52: {  	_ =	shalt  }
0x53: {  	_ =	shalt  }
0x54: {  	_ =	shalt  }
0x55: {  	_ =	shalt  }
0x56: {  	_ =	shalt  }
0x57: {  	_ =	shalt  }
0x58: {  	_ =	shalt  }
0x59: {  	_ =	shalt  }
0x5a: {  	_ =	shalt  }
0x5b: {  	_ =	shalt  }
0x5c: {  	_ =	shalt  }
0x5d: {  	_ =	shalt  }
0x5e: {  	_ =	shalt  }
0x5f: {  	_ =	shalt  }
0x60: {  	_ =	shalt  }
0x61: {  	_ =	shalt  }
0x62: {  	_ =	shalt  }
0x63: {  	_ =	shalt  }
0x64: {  	_ =	shalt  }
0x65: {  	_ =	shalt  }
0x66: {  	_ =	shalt  }
0x67: {  	_ =	shalt  }
0x68: {  	_ =	shalt  }
0x69: {  	_ =	shalt  }
0x6a: {  	_ =	shalt  }
0x6b: {  	_ =	shalt  }
0x6c: {  	_ =	shalt  }
0x6d: {  	_ =	shalt  }
0x6e: {  	_ =	shalt  }
0x6f: {  	_ =	shalt  }
0x70: {  	_ =	shalt  }
0x71: {  	_ =	shalt  }
0x72: {  	_ =	shalt  }
0x73: {  	_ =	shalt  }
0x74: {  	_ =	shalt  }
0x75: {  	_ =	shalt  }
0x76: {  	_ =	shalt  }
0x77: {  	_ =	shalt  }
0x78: {  	_ =	shalt  }
0x79: {  	_ =	shalt  }
0x7a: {  	_ =	shalt  }
0x7b: {  	_ =	shalt  }
0x7c: {  	_ =	shalt  }
0x7d: {  	_ =	shalt  }
0x7e: {  	_ =	shalt  }
0x7f: {  	_ =	shalt  }
0x80: {  	_ =	shalt  }
0x81: {  	_ =	shalt  }
0x82: {  	_ =	shalt  }
0x83: {  	_ =	shalt  }
0x84: {  	_ =	shalt  }
0x85: {  	_ =	shalt  }
0x86: {  	_ =	shalt  }
0x87: {  	_ =	shalt  }
.Lfunc_end0:
.L_simem_size_0:
called_computation.1_lowered:
.L_overlay_start_0:
0x88: {  	s2 =	sld [smem:$0x3FD9]  }
0x89: {  	s3 =	sld [smem:$0x3FFE];
	_ =	sdelay $0x1  }
0x8a: {  	s1 =	srdreg.scid  }
0x8b: {  	s0 =	sand.u32 $0x1, s1  }
0x8c: {  	s17 =	sshll.u32 s0, $0xA;
	s2 =	sadd.s32 s3, s2  }
0x8d: {  	s2 =	sadd.s32 s2, s17  }
0x8e: {  	[smem:$0x3FC7] =	sst s2  }
0x8f: {  	_ = 	snop  }
0x90: {  	s2 =	sld [smem:$0x3FC9];
	(tm) =	ssettm $0x1  }
0x91: {  	s18 =	sld [smem:$0x3FFB];
	_ =	sdelay $0x3  }
0x92: {  	_ =	strace s18  }
0x93: {  	s3 =	sld [smem:$0x3FFC];
	_ =	sdelay $0x3  }
0x94: {  	_ =	strace s3  }
0x95: {  	s3 =	sld [smem:$0x3FFD];
	_ =	sdelay $0x3  }
0x96: {  	_ =	strace s3  }
0x97: {  	_ =	strace $0x8FFFFFFF  }
0x98: {  	s19 =	sld [smem:$0x3FDB];
	_ =	sdelay $0x1  }
0x99: {  	s4 =	simm.s32 $_scs_section_size  }
0x9a: {  	s5 =	simm.s32 $_size__tile_overlayer_lowered;
	s6 =	simm.s32 $_tile_overlayer_lowered  }
0x9b: {  	s22 =	simm.s32 $0x1BFF;
	s21 =	sshll.u32 s6, $0x1;
	s3 =	sadd.s32 s4, s19  }
0x9c: {  	s7 =	simm.s32 $0x0;
	s20 =	sshll.u32 s5, $0x1;
	s5 =	sadd.s32 s21, s3  }
0x9d: {  	[timem:s7], [sflag:s22] =	dma.local [hbm:s5], s20  }
0x9e: {  	_ =	swait.ge [sflag:s22], s20  }
0x9f: {  	s4 =	ssub.s32 $0x0, s20;
	[sflag:s22] =	ssyncset.done $0x0  }
0xa0: {  	[sflag:s22] =	ssyncadd.s32 s4;
	_ =	sdelay $0x1  }
0xa1: {  	s23 =	simm.s32 $0x1B8B  }
0xa2: {  	_ =	swait.ge [sflag:s23], $0x1  }
0xa3: {  	[sflag:s23] =	ssyncset.done $0x0  }
0xa4: {  	s25 =	simm.s32 $0x1B8E;
	s24 =	sld [smem:$0x3FFE];
	[sflag:s23] =	ssyncadd.s32 $0xFFFFFFFF  }
0xa5: {  	s26 =	simm.s32 $execute0_lowered;
	[smem:$0x3FD2] =	sst s25  }
0xa6: {  	s5 =	sshll.u32 s26, $0x1;
	_ =	strace $0x80000046;
	[dreg:$0x1] =	wrdreg $0xFFFFFFFF  }
0xa7: {  	s28 =	simm.s32 $_size_execute0_lowered;
	s3 =	sadd.s32 s3, s5;
	[dreg:$0x0] =	wrdreg $0x0  }
0xa8: {  	s5 =	sshll.u32 s28, $0x1;
	[dreg:$0x2] =	wrdreg s3  }
0xa9: {  	[dreg:$0x3] =	wrdreg s5  }
0xaa: {  	[dreg:$0x4] =	wrdreg $0xC0  }
0xab: {  	_ =	task [dreg:s7], $0x5FFFF  }
0xac: {  	[dreg:$0x1] =	wrdreg $0xFFFFFFFF  }
0xad: {  	[dreg:$0x0] =	wrdreg $0x60  }
0xae: {  	[dreg:$0x2] =	wrdreg s2  }
0xaf: {  	[dreg:$0x3] =	wrdreg s24  }
0xb0: {  	[dreg:$0x4] =	wrdreg $0x9  }
0xb1: {  	_ =	task.clear_ibuf [dreg:s7], $0x5FFFF;
	_ =	strace $0x90000046  }
0xb2: {  	s29 =	simm.s32 $0x9;
	_ =	strace $0x80000048  }
0xb3: {  	_ =	swait.ge [sflag:s29], $0x1  }
0xb4: {  	[sflag:s29] =	ssyncadd.s32 $0xFFFFFFFF  }
0xb5: {  	_ =	strace $0x90000048  }
0xb6: {  	_ =	sfence  }
0xb7: {  	s30 =	sld [smem:$0x0];
	_ =	sdelay $0x2  }
0xb8: {  	s31 =	sshll.u32 s1, $0xD;
	s1 =	sshrl.u32 s1, $0x2  }
0xb9: {  	s3 =	sand.u32 $0x4000, s31;
	s1 =	sadd.s32 s1, s30  }
0xba: {  	s0 =	sor.u32 s3, s0;
	s1 =	sshll.u32 s1, $0x11  }
0xbb: {  	s0 =	sor.u32 s1, s0  }
0xbc: {  	s0 =	sadd.s32 $0x8F2B, s0  }
0xbd: {  	[sflag:s0] =	ssyncadd.remote.s32 $0x1  }
0xbe: {  	_ =	sfence.sel $0xFFFF  }
0xbf: {  	[dreg:$0x0] =	wrdreg $0xFFFFFFFF;
	(pc) =	sbr.abs _section_cstart, $3  }
0xc0: {  	[dreg:$0x1] =	wrdreg $0xFFFFFFFF  }
0xc1: {  	_ =	task.clear_ibuf [dreg:s7], $0x2FFFF;
	_ =	strace $0x9FFFFFFF  }
0xc2: {  	(tm) =	ssettm $0x7FFFFFFF  }
0xc3: {  	_ =	shalt  }
tec
execute0_lowered:
.L_overlay_start_1:
0x0: {  	(tag) =	ssettag $0x1  }
0x1: {  	s6 =	rddreg [dreg:$0x0]  }
0x2: {  	s3 =	rddreg [dreg:$0x1]  }
0x3: {  	s0 =	rddreg [dreg:$0x2];
	s4 =	srdreg.scid  }
0x4: {  	s2 =	simm.s32 $0x0;
	s1 =	stileid.u32;
	s9 =	simm.s32 $0x2  }
0x5: {  	s10 =	simm.s32 $0x10400;
	s11 =	simm.s32 $0x10880;
	s12 =	simm.s32 $0x10D00  }
0x6: {  	s13 =	simm.s32 $0x10000;
	s14 =	simm.s32 $0x8000;
	s15 =	simm.s32 $0x0  }
0x7: {  	s4 =	sand.u32 $0x1, s4;
	[smem:$0x7FF] =	sst s2;
	s7 =	sshll.u32 s1, $0x1  }
0x8: {  	s3 =	sadd.s32 $0x800, s3;
	s5 =	ssub.s32 $0x2, s4;
	s7 =	sor.u32 s4, s7  }
0x9: {  	v0 =	vlaneseq.u32;
	_ =	strace $0x80000047;
	s8 =	sshrl.u32 s5, $0x1;
	s4 =	sshll.u32 s7, $0x10  }
0xa: {  	v1 =	vimm.s32 $0x0;
	v3 =	vimm.s32 $0x10;
	vm0 =	vcmask $0x3F04;
	s8 =	ssub.s32 s5, s8;
	s4 =	sadd.s32 s6, s4;
	s5 =	sshll.u32 s7, $0xC  }
0xb: {  	v2 =	vmul.u32 $0x80, v0;
	v4 =	vor.u32 $0x40, v0;
	v5 =	vmul.u32 $0x11, v0;
	s6 =	sadd.s32 $0x800, s6;
	s7 =	smax.u32 s8, $0x1;
	s8 =	simm.s32 $0x1  }
.LBB2_1:
0xc: {  	[tilespmem:$0x10400] =	vst v1  }
0xd: {  	[tilespmem:$0x10410] =	vst v1  }
0xe: {  	[tilespmem:$0x10420] =	vst v1  }
0xf: {  	[tilespmem:$0x10430] =	vst v1  }
0x10: {  	[tilespmem:$0x10440] =	vst v1  }
0x11: {  	[tilespmem:$0x10450] =	vst v1  }
0x12: {  	[tilespmem:$0x10460] =	vst v1  }
0x13: {  	[tilespmem:$0x10470] =	vst v1  }
0x14: {  	[tilespmem:$0x10480] =	vst v1  }
0x15: {  	[tilespmem:$0x10490] =	vst v1  }
0x16: {  	[tilespmem:$0x104A0] =	vst v1  }
0x17: {  	[tilespmem:$0x104B0] =	vst v1  }
0x18: {  	[tilespmem:$0x104C0] =	vst v1  }
0x19: {  	[tilespmem:$0x104D0] =	vst v1  }
0x1a: {  	[tilespmem:$0x104E0] =	vst v1  }
0x1b: {  	[tilespmem:$0x104F0] =	vst v1  }
0x1c: {  	[tilespmem:$0x10500] =	vst v1  }
0x1d: {  	[tilespmem:$0x10510] =	vst v1  }
0x1e: {  	[tilespmem:$0x10520] =	vst v1  }
0x1f: {  	[tilespmem:$0x10530] =	vst v1  }
0x20: {  	[tilespmem:$0x10540] =	vst v1  }
0x21: {  	[tilespmem:$0x10550] =	vst v1  }
0x22: {  	[tilespmem:$0x10560] =	vst v1  }
0x23: {  	[tilespmem:$0x10570] =	vst v1  }
0x24: {  	[tilespmem:$0x10580] =	vst v1  }
0x25: {  	[tilespmem:$0x10590] =	vst v1  }
0x26: {  	[tilespmem:$0x105A0] =	vst v1  }
0x27: {  	[tilespmem:$0x105B0] =	vst v1  }
0x28: {  	[tilespmem:$0x105C0] =	vst v1  }
0x29: {  	[tilespmem:$0x105D0] =	vst v1  }
0x2a: {  	[tilespmem:$0x105E0] =	vst v1  }
0x2b: {  	[tilespmem:$0x105F0] =	vst v1  }
0x2c: {  	[tilespmem:$0x10600] =	vst v1  }
0x2d: {  	[tilespmem:$0x10610] =	vst v1  }
0x2e: {  	[tilespmem:$0x10620] =	vst v1  }
0x2f: {  	[tilespmem:$0x10630] =	vst v1  }
0x30: {  	[tilespmem:$0x10640] =	vst v1  }
0x31: {  	[tilespmem:$0x10650] =	vst v1  }
0x32: {  	[tilespmem:$0x10660] =	vst v1  }
0x33: {  	[tilespmem:$0x10670] =	vst v1  }
0x34: {  	[tilespmem:$0x10680] =	vst v1  }
0x35: {  	[tilespmem:$0x10690] =	vst v1  }
0x36: {  	[tilespmem:$0x106A0] =	vst v1  }
0x37: {  	[tilespmem:$0x106B0] =	vst v1  }
0x38: {  	[tilespmem:$0x106C0] =	vst v1  }
0x39: {  	[tilespmem:$0x106D0] =	vst v1  }
0x3a: {  	[tilespmem:$0x106E0] =	vst v1  }
0x3b: {  	[tilespmem:$0x106F0] =	vst v1  }
0x3c: {  	[tilespmem:$0x10700] =	vst v1  }
0x3d: {  	[tilespmem:$0x10710] =	vst v1  }
0x3e: {  	[tilespmem:$0x10720] =	vst v1  }
0x3f: {  	[tilespmem:$0x10730] =	vst v1  }
0x40: {  	[tilespmem:$0x10740] =	vst v1  }
0x41: {  	[tilespmem:$0x10750] =	vst v1  }
0x42: {  	[tilespmem:$0x10760] =	vst v1  }
0x43: {  	[tilespmem:$0x10770] =	vst v1  }
0x44: {  	[tilespmem:$0x10780] =	vst v1  }
0x45: {  	[tilespmem:$0x10790] =	vst v1  }
0x46: {  	[tilespmem:$0x107A0] =	vst v1  }
0x47: {  	[tilespmem:$0x107B0] =	vst v1  }
0x48: {  	[tilespmem:$0x107C0] =	vst v1  }
0x49: {  	[tilespmem:$0x107D0] =	vst v1  }
0x4a: {  	[tilespmem:$0x107E0] =	vst v1  }
0x4b: {  	[tilespmem:$0x107F0] =	vst v1  }
0x4c: {  	[tilespmem:$0x10800] =	vst v1;
	s16 =	simm.s32 $0x0  }
0x4d: {  	[tilespmem:s2], [sflag:$0x1] =	stream.linear.gather [hbm4b:s4+s2], $0x4000, $0x38;
	[tilespmem:$0x11180] =	vst v63  }
.LBB2_2:
0x4e: {  	s17 =	sshll.u32 s16, $0x7  }
0x4f: {  	_ =	swait.ge [sflag:s8], $0x4000;
	s18 =	sshll.u32 s16, $0xE;
	p0 =	seq.s32 s16, $0x1F  }
0x50: {  	s17 =	sadd.s32 s5, s17;
	[sflag:s8] =	ssyncset.done $0x0;
	s18 =	sand.u32 $0x4000, s18  }
0x51: {  	s21 =	simm.s32 @!p0 $0x0;
	p1 =	slt.u32 @!p0 s16, $0x2;
	s19 =	sshll.u32 @!p0 s17, $0x4  }
0x52: {  	[sflag:s8] =	ssyncadd.s32 $0xFFFFC000;
	s20 =	ssub.s32 @!p0 $0x4000, s18;
	s19 =	sadd.s32 @!p0 s19, s6  }
0x53: {  	[tilespmem:s20], [sflag:$0x1] =	stream.linear.gather @!p0 [hbm4b:s19+s21], $0x4000, $0x38;
	[tilespmem:$0x11180] =	vst v63  }
0x54: {  	p0 =	por p0, !p1  }
0x55: {  	_ =	swait.ge @p0 [sflag:s9], $0x4000  }
0x56: {  	s16 =	sadd.s32 $0x1, s16;
	[sflag:s9] =	ssyncset.done @p0 $0x0  }
0x57: {  	v6 =	vmov s18;
	s19 =	simm.s32 $0x0;
	s20 =	simm.s32 $0x0;
	[sflag:s9] =	ssyncadd.s32 @p0 $0xFFFFC000  }
.LBB2_3:
0x58: {  	s21 =	sshll.u32 s20, $0x4  }
0x59: {  	v7 =	vmov s21  }
0x5a: {  	s26 =	simm.s32 $0x5;
	v7 =	vshll.u32 v7, $0x7  }
0x5b: {  	s22 =	simm.s32 $0x4;
	v10 =	vadd.s32 s26, v0;
	v7 =	vor.u32 v2, v7  }
0x5c: {  	s28 =	simm.s32 $0x6;
	v12 =	vadd.s32 s22, v0;
	v13 =	vand.u32 $0x3F, v10;
	v7 =	vadd.s32 v6, v7  }
0x5d: {  	s23 =	simm.s32 $0x7;
	v14 =	vadd.s32 s28, v0;
	v16 =	vand.u32 $0x3F, v12;
	v9 =	vor.u32 v7, v13  }
0x5e: {  	v19 =	vadd.s32 s23, v0;
	v18 =	vand.u32 $0x3F, v14;
	v15 =	vor.u32 v7, v16  }
0x5f: {  	s29 =	simm.s32 $0x1;
	v23 =	vand.u32 $0x3F, v19;
	v8 =	vor.u32 $0x40, v7;
	v21 =	vor.u32 v7, v18  }
0x60: {  	s30 =	simm.s32 $0x2;
	s31 =	simm.s32 $0x3;
	v17 =	vadd.s32 s29, v0;
	v24 =	vor.u32 v14, v8;
	v14 =	vor.u32 v7, v23  }
0x61: {  	v20 =	vadd.s32 s30, v0;
	v26 =	vadd.s32 s31, v0;
	v25 =	vor.u32 v17, v8  }
0x62: {  	v22 =	vand.u32 $0x3F, v20;
	v28 =	vand.u32 $0x3F, v26;
	v20 =	vor.u32 v20, v8;
	v9 =	vld.idx.msk [tilespmem:v9+s2+$0x0], $0xffff  }
0x63: {  	v11 =	vimm.f32 $0.0e+00;
	v33 =	vshll.u32 v13, $0x4;
	v30 =	vor.u32 v7, v28;
	v29 =	vld.idx.msk [tilespmem:v15+s2+$0x0], $0xffff  }
0x64: {  	v40 =	vshll.u32 v16, $0x4;
	v37 =	vshll.u32 v28, $0x4;
	v27 =	vor.u32 v7, v22;
	v41 =	vld.idx.msk [tilespmem:v21+s2+$0x0], $0xffff  }
0x65: {  	v22 =	vshll.u32 v22, $0x4;
	v19 =	vor.u32 v19, v8;
	v15 =	vand.u32 $0x3F, v17;
	v17 =	vld.idx.msk [tilespmem:v14+s2+$0x0], $0xffff  }
0x66: {  	v26 =	vor.u32 v26, v8;
	v32 =	vor.u32 v7, v15;
	v13 =	vshll.u32 v15, $0x4;
	v15 =	vld.idx.msk [tilespmem:v25+s2+$0x0], $0xffff  }
0x67: {  	v34 =	vor.u32 v10, v8;
	v10 =	vshll.u32 v18, $0x4;
	v21 =	vadd.s32 s19, v0;
	v18 =	vld.idx.msk [tilespmem:v20+s2+$0x0], $0xffff  }
0x68: {  	v25 =	vor.u32 v12, v8;
	v12 =	vor.u32 v0, v10;
	v14 =	vor.u32 v0, v22;
	v22 =	vld.idx.msk [tilespmem:v30+s2+$0x0], $0xffff  }
0x69: {  	v20 =	vld.idx.msk [tilespmem:v27+s2+$0x0], $0xffff;
	v27 =	vand.u32 $0x3F, v21;
	v36 =	vor.u32 v21, v8;
	v50 =	vshll.u32 v21, $0x4  }
0x6a: {  	v10 =	vor.u32 v0, v13;
	v13 =	vshll.u32 v23, $0x4;
	v28 =	vor.u32 v7, v27  }
0x6b: {  	v19 =	vld.idx.msk [tilespmem:v19+s2+$0x0], $0xffff;
	v43 =	vand.u32 $0x3FF, v50;
	v13 =	vor.u32 v0, v13;
	v31 =	vmul.f32 $6.400000000e+01, v9  }
0x6c: {  	v27 =	vld.idx.msk [tilespmem:v24+s2+$0x0], $0xffff;
	v38 =	vmul.f32 $6.400000000e+01, v29;
	v35 =	vsub.f32 v9, v29;
	v54 =	vmul.f32 $6.400000000e+01, v41  }
0x6d: {  	v48 =	vsub.f32 v41, v9;
	v30 =	vmul.f32 $6.400000000e+01, v17;
	v24 =	vmul.f32 $6.400000000e+01, v22  }
0x6e: {  	v51 =	vmul.f32 $6.400000000e+01, v20;
	v39 =	vsub.f32 v17, v41;
	v16 =	vtrunc.f32 v31  }
0x6f: {  	v45 =	vsub.f32 v22, v20;
	v23 =	vcvt.f32.s32 v16;
	vm1 =	vgt.f32 v31, v16  }
0x70: {  	v53 =	vsub.f32 v29, v22;
	(erf) = vrcp.f32 v35;
	v21 =	vsel vm1, $0x1, v1  }
0x71: {  	v47 =	vsub.f32 v19, v27;
	v56 =	vtrunc.f32 v54;
	v23 =	vadd.s32 v23, v21;
	v21 =	vld.idx.msk [tilespmem:v34+s2+$0x0], $0xffff  }
0x72: {  	v62 =	vtrunc.f32 v38;
	v31 =	vsub.f32 v18, v15;
	v16 =	vor.u32 v0, v33;
	v34 =	vld.idx.msk [tilespmem:v32+s2+$0x0], $0xffff  }
0x73: {  	v42 =	vtrunc.f32 v24;
	(erf) = vrcp.f32 v39;
	v52 =	vshll.u32 v23, $0x4;
	v23 =	vld.idx.msk [tilespmem:v25+s2+$0x0], $0xffff  }
0x74: {  	v58 =	vcvt.f32.s32 v56;
	vm3 =	vgt.f32 v54, v56;
	v25 =	vld.idx.msk [tilespmem:v28+s2+$0x0], $0xffff;
	v28 =	vtrunc.f32 v51  }
0x75: {  	v35 =	vcvt.f32.s32 v42;
	v46 =	vcvt.f32.s32 v28;
	vm1 =	vgt.f32 v51, v28;
	v28 =	vld.idx.msk [tilespmem:v26+s2+$0x0], $0xffff  }
0x76: {  	(erf) = vrcp.f32 v53;
	v44 =	vor.u32 v0, v52;
	v26 =	vsel vm1, $0x1, v1  }
0x77: {  	vm2 =	vgt.f32 v24, v42;
	v24 =	vtrunc.f32 v30;
	v26 =	vadd.s32 v46, v26  }
0x78: {  	vm1 =	vgt.f32 v30, v24;
	v26 =	vshll.u32 v26, $0x4;
	v50 =	vmul.f32 $6.400000000e+01, v34  }
0x79: {  	v55 =	vsub.f32 v21, v23;
	v30 =	vmul.f32 $6.400000000e+01, v25;
	v57 =	vsub.f32 v25, v11  }
0x7a: {  	v51 =	vor.u32 v0, v26;
	v52 =	vsub.f32 v34, v25;
	v49 =	vsub.f32 v23, v28  }
0x7b: {  	v61 =	vtrunc.f32 v50;
	[tilespmem:v44+s10+$0x0] =	vst.idx.add.s32.msk $0xffff, v3;
	v44 =	vsel vm2, $0x1, v1;
	v59 =	vtrunc.f32 v30  }
0x7c: {  	(erf) = vrcp.f32 v57;
	v57 =	vsub.f32 v20, v34;
	vm15 =	vgt.f32 v50, v61  }
0x7d: {  	v60 =	vcvt.f32.s32 v59;
	vm4 =	vgt.f32 v30, v59;
	(erf) = vrcp.f32 v45;
	v30 =	vpop (erf)  }
0x7e: {  	v45 =	vcvt.f32.s32 v62;
	v26 =	vsel vm4, $0x1, v1;
	v42 =	vmul.f32 v30, v55  }
0x7f: {  	v30 =	vadd.s32 v60, v26;
	v26 =	vld.idx.msk [tilespmem:v36+s2+$0x0], $0xffff;
	v63 =	vpop (erf);
	v36 =	vor.u32 v0, v43;
	(erf) = vrcp.f32 v57  }
0x80: {  	v30 =	vshll.u32 v30, $0x4;
	(erf) = vrcp.f32 v48;
	v33 =	vmul.f32 v42, v29  }
0x81: {  	v29 =	vsel vm3, $0x1, v1;
	v53 =	vor.u32 v0, v30;
	v30 =	vmul.f32 v63, v47  }
0x82: {  	v59 =	vpop (erf);
	vm3 =	vgt.f32 v38, v62;
	v38 =	vor.u32 v0, v40;
	(erf) = vrcp.f32 v52  }
0x83: {  	[tilespmem:v16+s11+$0x0] =	vst.idx.msk $0xffff, v42;
	v42 =	vsub.f32 v28, v18;
	v62 =	vsel vm15, $0x1, v1;
	v54 =	vadd.s32 v58, v29  }
0x84: {  	v29 =	vor.u32 v0, v37;
	v37 =	vcvt.f32.s32 v24;
	v24 =	vcvt.f32.s32 v61  }
0x85: {  	v60 =	vsel vm3, $0x1, v1;
	v41 =	vmul.f32 v30, v41;
	v58 =	vsub.f32 v26, v11  }
0x86: {  	v40 =	vadd.s32 v45, v60;
	v63 =	vshll.u32 v54, $0x4;
	v39 =	vsub.f32 v15, v26;
	v61 =	vpop (erf)  }
0x87: {  	[tilespmem:v51+s10+$0x0] =	vst.idx.add.s32.msk $0xffff, v3;
	v40 =	vshll.u32 v40, $0x4;
	v48 =	vadd.s32 v24, v62;
	v47 =	vmul.f32 v61, v58  }
0x88: {  	v45 =	vor.u32 v0, v63;
	v24 =	vimm.f32 $0.0e+00;
	v32 =	vsub.f32 v27, v41;
	[tilespmem:v53+s10+$0x0] =	vst.idx.add.s32.msk $0xffff, v3  }
0x89: {  	s21 =	simm.s32 $0x8;
	v41 =	vmul.f32 v59, v49;
	v46 =	vor.u32 v0, v40;
	v40 =	vsel vm1, $0x1, v1;
	v43 =	vpop (erf);
	[tilespmem:v36+s11+$0x0] =	vst.idx.msk $0xffff, v47  }
.LBB2_4:
0x8a: {  	s24 =	sadd.s32 $0x1, s21  }
0x8b: {  	s25 =	sadd.s32 $0x2, s21;
	s23 =	sadd.s32 $0x3, s21;
	v47 =	vmul.f32 v47, v11;
	v43 =	vmul.f32 v43, v42;
	v27 =	vsub.f32 v27, v21;
	v11 =	vmovc v17;
	s22 =	smov.u32 s21  }
0x8c: {  	s26 =	sadd.s32 $0x6, s21;
	v48 =	vshll.u32 v48, $0x4;
	v17 =	vadd.s32 s24, v0;
	v42 =	vadd.s32 s25, v0;
	s24 =	sadd.s32 $0x4, s21;
	s25 =	sadd.s32 $0x5, s21;
	v49 =	vpop (erf)  }
0x8d: {  	p0 =	slt.u32 s21, $0x38;
	s21 =	sadd.s32 $0x8, s21;
	v48 =	vor.u32 v0, v48;
	v50 =	vadd.s32 s24, v0;
	v51 =	vadd.s32 s25, v0;
	s24 =	sadd.s32 $0x7, s22;
	v52 =	vpop (erf)  }
0x8e: {  	v54 =	vadd.s32 s26, v0;
	v31 =	vmul.f32 v49, v31;
	v53 =	vand.u32 $0x3F, v51;
	[tilespmem:v46+s10+$0x0] =	vst.idx.add.s32.msk $0xffff, v3  }
0x8f: {  	v35 =	vadd.s32 v35, v44;
	v46 =	vand.u32 $0x3F, v50;
	v49 =	vor.u32 v7, v53;
	[tilespmem:v38+s11+$0x0] =	vst.idx.msk $0xffff, v41;
	v44 =	vpop (erf)  }
0x90: {  	v56 =	vand.u32 $0x3F, v54;
	v20 =	vmul.f32 v43, v20;
	v55 =	vor.u32 v7, v46;
	[tilespmem:v45+s10+$0x0] =	vst.idx.add.s32.msk $0xffff, v3  }
0x91: {  	v57 =	vadd.s32 s24, v0;
	v45 =	vor.u32 v7, v56;
	v44 =	vmul.f32 v44, v39;
	[tilespmem:v14+s11+$0x0] =	vst.idx.msk $0xffff, v31  }
0x92: {  	v58 =	vand.u32 $0x3F, v57;
	v57 =	vor.u32 v57, v8;
	v59 =	vsub.f32 v18, v20  }
0x93: {  	v54 =	vor.u32 v54, v8;
	v20 =	vmul.f32 v31, v34;
	v18 =	vor.u32 v7, v58  }
0x94: {  	v34 =	vor.u32 v42, v8;
	v31 =	vand.u32 $0x3F, v42;
	[tilespmem:v48+s10+$0x0] =	vst.idx.add.s32.msk $0xffff, v3;
	v48 =	vmul.f32 v52, v27  }
0x95: {  	v42 =	vor.u32 v7, v31;
	v25 =	vmul.f32 v44, v25;
	v27 =	vor.u32 v17, v8;
	v39 =	vld.idx.msk [tilespmem:v55+s2+$0x0], $0xffff  }
0x96: {  	v22 =	vmul.f32 v41, v22;
	v31 =	vshll.u32 v31, $0x4;
	v17 =	vand.u32 $0x3F, v17;
	v49 =	vld.idx.msk [tilespmem:v49+s2+$0x0], $0xffff;
	[tilespmem:v10+s11+$0x0] =	vst.idx.msk $0xffff, v44  }
0x97: {  	v15 =	vsub.f32 v15, v20;
	v52 =	vshll.u32 v53, $0x4;
	v44 =	vor.u32 v7, v17;
	[tilespmem:v12+s11+$0x0] =	vst.idx.msk $0xffff, v48  }
0x98: {  	v22 =	vsub.f32 v28, v22;
	v53 =	vshll.u32 v17, $0x4;
	v17 =	vadd.s32 s23, v0  }
0x99: {  	v28 =	vand.u32 $0x3F, v17;
	v55 =	vor.u32 v17, v8;
	v17 =	vld.idx.msk [tilespmem:v18+s2+$0x0], $0xffff;
	v18 =	vadd.s32 v37, v40  }
0x9a: {  	v47 =	vsub.f32 v24, v47;
	v24 =	vmovc v19;
	v37 =	vor.u32 v7, v28;
	v20 =	vld.idx.msk [tilespmem:v42+s2+$0x0], $0xffff;
	v41 =	vshll.u32 v18, $0x4  }
0x9b: {  	v51 =	vor.u32 v51, v8;
	v18 =	vshll.u32 v56, $0x4;
	v40 =	vld.idx.msk [tilespmem:v45+s2+$0x0], $0xffff;
	[tilespmem:v14+s12+$0x0] =	vst.idx.msk $0xffff, v15;
	v14 =	vshll.u32 v35, $0x4  }
0x9c: {  	v35 =	vor.u32 v50, v8;
	v45 =	vor.u32 v0, v18;
	v15 =	vld.idx.msk [tilespmem:v27+s2+$0x0], $0xffff;
	v19 =	vor.u32 v0, v14  }
0x9d: {  	v42 =	vmul.f32 $6.400000000e+01, v39;
	v50 =	vor.u32 v0, v41;
	v18 =	vld.idx.msk [tilespmem:v34+s2+$0x0], $0xffff;
	v34 =	vsub.f32 v49, v39  }
0x9e: {  	v41 =	vshll.u32 v46, $0x4;
	v14 =	vor.u32 v0, v31;
	v31 =	vmul.f32 $6.400000000e+01, v49;
	v27 =	vld.idx.msk [tilespmem:v54+s2+$0x0], $0xffff;
	[tilespmem:v38+s12+$0x0] =	vst.idx.msk $0xffff, v22  }
0x9f: {  	v46 =	vshll.u32 v58, $0x4;
	v38 =	vor.u32 v0, v53;
	[tilespmem:v36+s12+$0x0] =	vst.idx.msk $0xffff, v47;
	v36 =	vmul.f32 v48, v9  }
0xa0: {  	v23 =	vsub.f32 v23, v33;
	v9 =	vmovc v49;
	v22 =	vld.idx.msk [tilespmem:v37+s2+$0x0], $0xffff;
	v37 =	vtrunc.f32 v31;
	(erf) = vrcp.f32 v34  }
0xa1: {  	v34 =	vor.u32 v0, v46;
	v33 =	vcvt.f32.s32 v37;
	[tilespmem:v19+s10+$0x0] =	vst.idx.add.s32.msk $0xffff, v3;
	v21 =	vsub.f32 v21, v36  }
0xa2: {  	v25 =	vsub.f32 v26, v25;
	v46 =	vmul.f32 $6.400000000e+01, v17;
	v36 =	vadd.s32 s22, v0;
	[tilespmem:v16+s12+$0x0] =	vst.idx.msk $0xffff, v23  }
0xa3: {  	v47 =	vshll.u32 v28, $0x4;
	v16 =	vand.u32 $0x3F, v36;
	v26 =	vor.u32 v36, v8;
	v19 =	vld.idx.msk [tilespmem:v57+s2+$0x0], $0xffff;
	[tilespmem:v29+s11+$0x0] =	vst.idx.msk $0xffff, v43  }
0xa4: {  	vm1 =	vgt.f32 v31, v37;
	v23 =	vshll.u32 v36, $0x4;
	v28 =	vor.u32 v7, v16;
	[tilespmem:v12+s12+$0x0] =	vst.idx.msk $0xffff, v21  }
0xa5: {  	v31 =	vsub.f32 v18, v15;
	v16 =	vor.u32 v0, v52;
	v21 =	vsel vm1, $0x1, v1;
	[tilespmem:v50+s10+$0x0] =	vst.idx.add.s32.msk $0xffff, v3  }
0xa6: {  	v36 =	vmul.f32 $6.400000000e+01, v20;
	v12 =	vmovc v45;
	v37 =	vmul.f32 $6.400000000e+01, v22;
	v33 =	vadd.s32 v33, v21;
	[tilespmem:v29+s12+$0x0] =	vst.idx.msk $0xffff, v59  }
0xa7: {  	v43 =	vand.u32 $0x3FF, v23;
	v29 =	vshll.u32 v33, $0x4;
	v33 =	vsub.f32 v17, v40;
	v21 =	vld.idx.msk [tilespmem:v51+s2+$0x0], $0xffff;
	[tilespmem:v13+s11+$0x0] =	vst.idx.msk $0xffff, v30  }
0xa8: {  	v30 =	vtrunc.f32 v37;
	v29 =	vor.u32 v0, v29;
	v23 =	vld.idx.msk [tilespmem:v35+s2+$0x0], $0xffff;
	[tilespmem:v10+s12+$0x0] =	vst.idx.msk $0xffff, v25;
	v10 =	vmov v38  }
0xa9: {  	v35 =	vcvt.f32.s32 v30;
	v38 =	vsub.f32 v22, v20;
	v25 =	vld.idx.msk [tilespmem:v28+s2+$0x0], $0xffff;
	v45 =	vpop (erf);
	(erf) = vrcp.f32 v33;
	[tilespmem:v13+s12+$0x0] =	vst.idx.msk $0xffff, v32  }
0xaa: {  	v48 =	vsub.f32 v19, v27;
	v32 =	vtrunc.f32 v36;
	v33 =	vsub.f32 v39, v22;
	v13 =	vmovc v34;
	v28 =	vld.idx.msk [tilespmem:v55+s2+$0x0], $0xffff  }
0xab: {  	vm1 =	vgt.f32 v36, v32;
	v34 =	vld.idx.msk [tilespmem:v44+s2+$0x0], $0xffff;
	v44 =	vcvt.f32.s32 v32;
	v32 =	vsub.f32 v40, v9  }
0xac: {  	v49 =	vmul.f32 $6.400000000e+01, v40;
	v36 =	vsel vm1, $0x1, v1;
	(erf) = vrcp.f32 v33  }
0xad: {  	vm2 =	vgt.f32 v37, v30;
	v30 =	vtrunc.f32 v46;
	v33 =	vadd.s32 v44, v36;
	[tilespmem:v29+s10+$0x0] =	vst.idx.add.s32.msk $0xffff, v3  }
0xae: {  	vm1 =	vgt.f32 v46, v30;
	v29 =	vsub.f32 v21, v23;
	v36 =	vtrunc.f32 v49  }
0xaf: {  	v37 =	vmul.f32 $6.400000000e+01, v25;
	v44 =	vsub.f32 v25, v11;
	v46 =	vcvt.f32.s32 v36  }
0xb0: {  	v33 =	vshll.u32 v33, $0x4;
	vm3 =	vgt.f32 v49, v36;
	v50 =	vsub.f32 v23, v28  }
0xb1: {  	v51 =	vor.u32 v0, v33;
	v36 =	vtrunc.f32 v37;
	v49 =	vmul.f32 $6.400000000e+01, v34  }
0xb2: {  	v29 =	vmul.f32 v45, v29;
	v33 =	vcvt.f32.s32 v36;
	vm4 =	vgt.f32 v37, v36;
	v45 =	vpop (erf)  }
0xb3: {  	v52 =	vsub.f32 v34, v25;
	v36 =	vsel vm4, $0x1, v1;
	v26 =	vld.idx.msk [tilespmem:v26+s2+$0x0], $0xffff;
	(erf) = vrcp.f32 v44  }
0xb4: {  	v33 =	vadd.s32 v33, v36;
	v44 =	vtrunc.f32 v49;
	[tilespmem:v16+s11+$0x0] =	vst.idx.msk $0xffff, v29;
	(erf) = vrcp.f32 v38  }
0xb5: {  	v36 =	vshll.u32 v33, $0x4;
	v38 =	vtrunc.f32 v42;
	v33 =	vmul.f32 v29, v39;
	v53 =	vpop (erf)  }
0xb6: {  	v37 =	vcvt.f32.s32 v30;
	v29 =	vor.u32 v0, v47;
	v54 =	vor.u32 v0, v36  }
0xb7: {  	v30 =	vsel vm3, $0x1, v1;
	v55 =	vcvt.f32.s32 v44;
	v47 =	vsub.f32 v20, v34;
	[tilespmem:v51+s10+$0x0] =	vst.idx.add.s32.msk $0xffff, v3  }
0xb8: {  	v36 =	vor.u32 v0, v43;
	v51 =	vadd.s32 v46, v30;
	v30 =	vmul.f32 v45, v48  }
0xb9: {  	v43 =	vsub.f32 v26, v24;
	v39 =	vsub.f32 v15, v26;
	(erf) = vrcp.f32 v47  }
0xba: {  	vm3 =	vgt.f32 v42, v38;
	v42 =	vmul.f32 v30, v40;
	(erf) = vrcp.f32 v32  }
0xbb: {  	vm4 =	vgt.f32 v49, v44;
	v44 =	vcvt.f32.s32 v38;
	v38 =	vor.u32 v0, v41;
	[tilespmem:v54+s10+$0x0] =	vst.idx.add.s32.msk $0xffff, v3  }
.Ltmp0:
0xbc: {  	v41 =	vsel vm3, $0x1, v1;
	v32 =	vsub.f32 v27, v42;
	v40 =	vpop (erf);
	(erf) = vrcp.f32 v52;
	(pc) =	sbr.rel @p0 .LBB2_4-.Ltmp0, $4  }
0xbd: {  	v42 =	vsub.f32 v28, v18;
	v47 =	vmul.f32 v40, v43;
	v40 =	vadd.s32 v44, v41;
	v43 =	vpop (erf)  }
0xbe: {  	v45 =	vsel vm4, $0x1, v1;
	v41 =	vmul.f32 v53, v50;
	v40 =	vshll.u32 v40, $0x4  }
0xbf: {  	v44 =	vsel vm2, $0x1, v1;
	v46 =	vor.u32 v0, v40;
	v40 =	vshll.u32 v51, $0x4  }
0xc0: {  	v48 =	vadd.s32 v55, v45;
	[tilespmem:v36+s11+$0x0] =	vst.idx.msk $0xffff, v47;
	v45 =	vor.u32 v0, v40;
	v40 =	vsel vm1, $0x1, v1  }
0xc1: {  	_ =	sdelay $0x3  }
0xc2: {  	[tilespmem:v46+s10+$0x0] =	vst.idx.add.s32.msk $0xffff, v3;
	v11 =	vmul.f32 v47, v11;
	v22 =	vmul.f32 v41, v22;
	v51 =	vpop (erf)  }
0xc3: {  	v48 =	vshll.u32 v48, $0x4;
	v27 =	vsub.f32 v27, v21;
	[tilespmem:v45+s10+$0x0] =	vst.idx.add.s32.msk $0xffff, v3;
	v31 =	vmul.f32 v51, v31  }
0xc4: {  	v48 =	vor.u32 v0, v48;
	[tilespmem:v38+s11+$0x0] =	vst.idx.msk $0xffff, v41;
	v22 =	vsub.f32 v28, v22  }
0xc5: {  	v52 =	vpop (erf);
	v11 =	vsub.f32 v24, v11;
	[tilespmem:v14+s11+$0x0] =	vst.idx.msk $0xffff, v31  }
0xc6: {  	v35 =	vadd.s32 v35, v44;
	v27 =	vmul.f32 v52, v27;
	[tilespmem:v38+s12+$0x0] =	vst.idx.msk $0xffff, v22  }
0xc7: {  	v54 =	vshll.u32 v35, $0x4;
	v31 =	vmul.f32 v31, v34;
	[tilespmem:v36+s12+$0x0] =	vst.idx.msk $0xffff, v11  }
0xc8: {  	v55 =	vor.u32 v0, v54;
	v11 =	vsub.f32 v23, v33;
	[tilespmem:v12+s11+$0x0] =	vst.idx.msk $0xffff, v27  }
0xc9: {  	v56 =	vadd.s32 v37, v40;
	v53 =	vpop (erf);
	[tilespmem:v48+s10+$0x0] =	vst.idx.add.s32.msk $0xffff, v3;
	v15 =	vsub.f32 v15, v31  }
0xca: {  	v24 =	vshll.u32 v56, $0x4;
	v39 =	vmul.f32 v53, v39;
	v9 =	vmul.f32 v27, v9;
	[tilespmem:v16+s12+$0x0] =	vst.idx.msk $0xffff, v11  }
0xcb: {  	[tilespmem:v14+s12+$0x0] =	vst.idx.msk $0xffff, v15;
	v14 =	vmul.f32 v43, v42;
	v15 =	vor.u32 v0, v24  }
0xcc: {  	[tilespmem:v10+s11+$0x0] =	vst.idx.msk $0xffff, v39;
	v9 =	vsub.f32 v21, v9  }
0xcd: {  	[tilespmem:v55+s10+$0x0] =	vst.idx.add.s32.msk $0xffff, v3;
	v20 =	vmul.f32 v14, v20  }
0xce: {  	[tilespmem:v12+s12+$0x0] =	vst.idx.msk $0xffff, v9  }
0xcf: {  	[tilespmem:v29+s11+$0x0] =	vst.idx.msk $0xffff, v14;
	v14 =	vmul.f32 v39, v25;
	v11 =	vsub.f32 v18, v20  }
0xd0: {  	v9 =	vor.u32 v0, v7;
	[tilespmem:v15+s10+$0x0] =	vst.idx.add.s32.msk $0xffff, v3  }
0xd1: {  	v12 =	vsub.f32 v26, v14;
	[tilespmem:v29+s12+$0x0] =	vst.idx.msk $0xffff, v11  }
0xd2: {  	[tilespmem:v13+s11+$0x0] =	vst.idx.msk $0xffff, v30  }
0xd3: {  	[tilespmem:v10+s12+$0x0] =	vst.idx.msk $0xffff, v12  }
0xd4: {  	s21 =	simm.s32 $0x0;
	[tilespmem:v13+s12+$0x0] =	vst.idx.msk $0xffff, v32  }
0xd5: {  	v9 =	vld.idx.msk [tilespmem:v9+s21+$0x0], $0xffff;
	_ =	sdelay $0x4  }
0xd6: {  	v10 =	vor.u32 v4, v7;
	v9 =	vsub.f32 v9, v17;
	_ =	sdelay $0x1  }
0xd7: {  	(erf) = vrcp.f32 v9;
	_ =	sdelay $0x2  }
0xd8: {  	v9 =	vld.idx.msk [tilespmem:v10+s21+$0x0], $0xffff;
	_ =	sdelay $0x4  }
0xd9: {  	v9 =	vsub.f32 v9, v19  }
0xda: {  	v10 =	vpop (erf)  }
0xdb: {  	v9 =	vmul.f32 v10, v9;
	_ =	sdelay $0x1  }
0xdc: {  	v10 =	vmul.f32 v9, v17;
	_ =	sdelay $0x1  }
0xdd: {  	v10 =	vsub.f32 v19, v10  }
0xde: {  	[tilespmem:v5+s11+$0x0] =	vst.idx.msk vm0, v9  }
0xdf: {  	[tilespmem:v5+s12+$0x0] =	vst.idx.msk vm0, v10  }
0xe0: {  	v9 =	vld.idx.msk [tilespmem:v7+s21+$0x0], $0xffff;
	_ =	sdelay $0x4  }
0xe1: {  	v9 =	vadd.f32 $9.999999770e-03, v9;
	_ =	sdelay $0x1  }
0xe2: {  	(erf) = vrcp.f32 v9;
	_ =	sdelay $0x4  }
0xe3: {  	v8 =	vld.idx.msk [tilespmem:v8+s21+$0x0], $0xffff;
	_ =	sdelay $0x3  }
0xe4: {  	v9 =	vpop (erf)  }
0xe5: {  	v8 =	vmul.f32 v9, v8;
	_ =	sdelay $0x1  }
0xe6: {  	v10 =	vor.u32 $0x3F, v7;
	v9 =	vmul.f32 $9.999999770e-03, v8;
	_ =	sdelay $0x1  }
0xe7: {  	v9 =	vadd.f32 $0.0e+00, v9  }
0xe8: {  	[tilespmem:$0x10880] =	vst v8  }
0xe9: {  	[tilespmem:$0x10D00] =	vst v9  }
0xea: {  	v8 =	vld.idx.msk [tilespmem:v10+s21+$0x0], $0xffff;
	_ =	sdelay $0x4  }
0xeb: {  	v9 =	vor.u32 $0x7F, v7;
	v10 =	vsub.f32 $1.009999990e+00, v8;
	_ =	sdelay $0x1  }
0xec: {  	(erf) = vrcp.f32 v10;
	_ =	sdelay $0x2  }
0xed: {  	v9 =	vld.idx.msk [tilespmem:v9+s21+$0x0], $0xffff;
	_ =	sdelay $0x4  }
0xee: {  	v10 =	vsub.f32 $0.0e+00, v9  }
0xef: {  	v11 =	vpop (erf)  }
0xf0: {  	v10 =	vmul.f32 v11, v10;
	_ =	sdelay $0x1  }
0xf1: {  	v8 =	vmul.f32 v10, v8;
	_ =	sdelay $0x1  }
0xf2: {  	v8 =	vsub.f32 v9, v8  }
0xf3: {  	[tilespmem:$0x10C80] =	vst v10  }
0xf4: {  	s22 =	simm.s32 $0x10440;
	[tilespmem:$0x11100] =	vst v8  }
0xf5: {  	v8 =	vld [tilespmem:s22+$0xFFFFFFC0]  }
0xf6: {  	v9 =	vld [tilespmem:s22+$0xFFFFFFD0]  }
0xf7: {  	v10 =	vld [tilespmem:s22+$0xFFFFFFE0]  }
0xf8: {  	v11 =	vld [tilespmem:s22+$0xFFFFFFF0]  }
0xf9: {  	v12 =	vimm.s32 $0x0;
	v13 =	vld [tilespmem:s22+$0x0]  }
0xfa: {  	v8 =	vadd.s32 v12, v8;
	v12 =	vld [tilespmem:s22+$0x10]  }
0xfb: {  	v14 =	vadd.s32 v0, v8;
	v8 =	vadd.s32 v8, v9  }
0xfc: {  	s23 =	simm.s32 $0x104C0;
	v9 =	vld [tilespmem:s22+$0x20];
	v15 =	vadd.s32 v0, v8;
	v8 =	vadd.s32 v8, v10  }
0xfd: {  	v57 =	vld [tilespmem:s23+$0xFFFFFFF0];
	v16 =	vadd.s32 v0, v8;
	v8 =	vadd.s32 v8, v11  }
0xfe: {  	v29 =	vld [tilespmem:s23+$0x0];
	v11 =	vadd.s32 v0, v8;
	v8 =	vadd.s32 v8, v13  }
0xff: {  	v10 =	vld [tilespmem:s22+$0x30];
	v13 =	vadd.s32 v0, v8;
	v8 =	vadd.s32 v8, v12  }
0x100: {  	v30 =	vld [tilespmem:s23+$0x10];
	v12 =	vadd.s32 v0, v8  }
0x101: {  	v31 =	vld [tilespmem:s23+$0x20];
	v8 =	vadd.s32 v8, v9  }
0x102: {  	[tilespmem:s22+$0xFFFFFFC0] =	vst v1;
	v32 =	vld [tilespmem:s23+$0x30];
	v9 =	vadd.s32 v0, v8  }
0x103: {  	v17 =	vld.idx.msk [tilespmem:v14+s11+$0x0], $0xffff  }
0x104: {  	[tilespmem:s22+$0x10] =	vst v1;
	v60 =	vld.idx.msk [tilespmem:v14+s12+$0x0], $0xffff;
	v8 =	vadd.s32 v8, v10  }
0x105: {  	v10 =	vadd.s32 v0, v8;
	v22 =	vld.idx.msk [tilespmem:v12+s11+$0x0], $0xffff  }
0x106: {  	[tilespmem:s22+$0x20] =	vst v1;
	v27 =	vld.idx.msk [tilespmem:v12+s12+$0x0], $0xffff  }
0x107: {  	v23 =	vld.idx.msk [tilespmem:v9+s11+$0x0], $0xffff  }
0x108: {  	v26 =	vld.idx.msk [tilespmem:v9+s12+$0x0], $0xffff  }
0x109: {  	[tilespmem:s22+$0x30] =	vst v1;
	v9 =	vld [tilespmem:s23+$0xFFFFFFC0]  }
0x10a: {  	v24 =	vld.idx.msk [tilespmem:v10+s11+$0x0], $0xffff  }
0x10b: {  	[tilespmem:s22+$0xFFFFFFD0] =	vst v1;
	v25 =	vld.idx.msk [tilespmem:v10+s12+$0x0], $0xffff  }
0x10c: {  	s29 =	scvt.s32.f32 s21;
	[tilespmem:s22+$0xFFFFFFE0] =	vst v1;
	v10 =	vld [tilespmem:s23+$0xFFFFFFD0]  }
0x10d: {  	[tilespmem:s22+$0xFFFFFFF0] =	vst v1;
	v12 =	vld [tilespmem:s23+$0xFFFFFFE0]  }
0x10e: {  	[tilespmem:s22+$0x0] =	vst v1;
	s22 =	smul.f32 $1.562500000e-02, s29;
	s29 =	simm.s32 $0x5;
	v18 =	vld.idx.msk [tilespmem:v15+s11+$0x0], $0xffff  }
0x10f: {  	s29 =	scvt.s32.f32 s29;
	v58 =	vld.idx.msk [tilespmem:v15+s12+$0x0], $0xffff  }
0x110: {  	[tilespmem:s23+$0xFFFFFFF0] =	vst v1;
	v19 =	vld.idx.msk [tilespmem:v16+s11+$0x0], $0xffff;
	v9 =	vadd.s32 v8, v9  }
0x111: {  	s28 =	simm.s32 $0x6;
	[tilespmem:s23+$0x0] =	vst v1;
	s29 =	smul.f32 $1.562500000e-02, s29;
	v16 =	vld.idx.msk [tilespmem:v16+s12+$0x0], $0xffff;
	v8 =	vadd.s32 v0, v9;
	v10 =	vadd.s32 v9, v10  }
0x112: {  	s26 =	simm.s32 $0x7;
	s28 =	scvt.s32.f32 s28;
	[tilespmem:s23+$0x10] =	vst v1;
	v20 =	vld.idx.msk [tilespmem:v11+s11+$0x0], $0xffff;
	v9 =	vadd.s32 v0, v10;
	v12 =	vadd.s32 v10, v12  }
0x113: {  	s24 =	simm.s32 $0x1;
	s25 =	simm.s32 $0x2;
	s26 =	scvt.s32.f32 s26;
	[tilespmem:s23+$0x20] =	vst v1;
	v11 =	vld.idx.msk [tilespmem:v11+s12+$0x0], $0xffff;
	v22 =	vmul.f32 s29, v22;
	v10 =	vadd.s32 v0, v12;
	v12 =	vadd.s32 v12, v57  }
0x114: {  	s30 =	simm.s32 $0x4;
	s24 =	scvt.s32.f32 s24;
	s28 =	smul.f32 $1.562500000e-02, s28;
	v21 =	vld.idx.msk [tilespmem:v13+s11+$0x0], $0xffff;
	[tilespmem:s23+$0xFFFFFFE0] =	vst v1;
	v28 =	vadd.s32 v0, v12  }
0x115: {  	s31 =	simm.s32 $0x3;
	s25 =	scvt.s32.f32 s25;
	s26 =	smul.f32 $1.562500000e-02, s26;
	v13 =	vld.idx.msk [tilespmem:v13+s12+$0x0], $0xffff;
	v17 =	vmul.f32 s22, v17;
	[tilespmem:s23+$0xFFFFFFC0] =	vst v1;
	v22 =	vadd.f32 v27, v22;
	v12 =	vadd.s32 v12, v29  }
0x116: {  	s30 =	scvt.s32.f32 s30;
	s24 =	smul.f32 $1.562500000e-02, s24;
	s21 =	simm.s32 $0x10040;
	[tilespmem:s23+$0xFFFFFFD0] =	vst v1;
	v23 =	vmul.f32 s28, v23;
	v59 =	vadd.s32 v0, v12;
	v12 =	vadd.s32 v12, v30;
	v14 =	vld.idx.msk [tilespmem:v8+s11+$0x0], $0xffff  }
0x117: {  	s31 =	scvt.s32.f32 s31;
	s25 =	smul.f32 $1.562500000e-02, s25;
	v15 =	vmul.f32 s26, v24;
	s26 =	simm.s32 $0x8;
	[tilespmem:s21+$0x10] =	vst v22;
	v61 =	vadd.s32 v0, v12;
	v12 =	vadd.s32 v12, v31;
	v24 =	vld.idx.msk [tilespmem:v9+s11+$0x0], $0xffff  }
0x118: {  	s30 =	smul.f32 $1.562500000e-02, s30;
	s28 =	simm.s32 $0x9;
	s26 =	scvt.s32.f32 s26;
	v22 =	vadd.f32 v60, v17;
	v31 =	vadd.s32 v0, v12;
	v12 =	vadd.s32 v12, v32;
	v62 =	vld.idx.msk [tilespmem:v10+s11+$0x0], $0xffff  }
0x119: {  	s31 =	smul.f32 $1.562500000e-02, s31;
	[tilespmem:s23+$0x30] =	vst v1;
	v19 =	vmul.f32 s25, v19;
	s29 =	simm.s32 $0xA;
	s28 =	scvt.s32.f32 s28;
	v15 =	vadd.f32 v25, v15;
	v63 =	vadd.s32 v0, v12;
	v25 =	vld.idx.msk [tilespmem:v28+s11+$0x0], $0xffff  }
0x11a: {  	v21 =	vmul.f32 s30, v21;
	s30 =	simm.s32 $0xB;
	s23 =	smul.f32 $1.562500000e-02, s26;
	s26 =	scvt.s32.f32 s29;
	[tilespmem:s21+$0xFFFFFFC0] =	vst v22;
	v22 =	vld.idx.msk [tilespmem:v28+s12+$0x0], $0xffff  }
0x11b: {  	v20 =	vmul.f32 s31, v20;
	s31 =	simm.s32 $0xC;
	v19 =	vadd.f32 v16, v19;
	v23 =	vadd.f32 v26, v23;
	s28 =	smul.f32 $1.562500000e-02, s28;
	s29 =	scvt.s32.f32 s30;
	v26 =	vld.idx.msk [tilespmem:v59+s11+$0x0], $0xffff  }
0x11c: {  	s25 =	smul.f32 $1.562500000e-02, s26;
	s26 =	scvt.s32.f32 s31;
	s31 =	simm.s32 $0xD;
	v27 =	vld.idx.msk [tilespmem:v61+s11+$0x0], $0xffff  }
0x11d: {  	v18 =	vmul.f32 s24, v18;
	v11 =	vadd.f32 v11, v20;
	[tilespmem:s21+$0xFFFFFFE0] =	vst v19;
	s24 =	smul.f32 $1.562500000e-02, s29;
	s29 =	scvt.s32.f32 s31;
	s31 =	simm.s32 $0xE;
	v36 =	vld.idx.msk [tilespmem:v31+s11+$0x0], $0xffff  }
0x11e: {  	v13 =	vadd.f32 v13, v21;
	s30 =	simm.s32 $0xF;
	[tilespmem:s21+$0x30] =	vst v15;
	s22 =	smul.f32 $1.562500000e-02, s26;
	s31 =	scvt.s32.f32 s31;
	v15 =	vld.idx.msk [tilespmem:v63+s11+$0x0], $0xffff  }
0x11f: {  	v21 =	vadd.f32 v58, v18;
	[tilespmem:s21+$0xFFFFFFF0] =	vst v11;
	s29 =	smul.f32 $1.562500000e-02, s29;
	v11 =	vmul.f32 s23, v14;
	s23 =	scvt.s32.f32 s30;
	v18 =	vld.idx.msk [tilespmem:v31+s12+$0x0], $0xffff  }
0x120: {  	[tilespmem:s21+$0x0] =	vst v13;
	s31 =	smul.f32 $1.562500000e-02, s31;
	v13 =	vmul.f32 s28, v24;
	v16 =	vld.idx.msk [tilespmem:v63+s12+$0x0], $0xffff;
	v14 =	vmul.f32 s25, v62  }
0x121: {  	[tilespmem:s21+$0xFFFFFFD0] =	vst v21;
	v20 =	vld.idx.msk [tilespmem:v61+s12+$0x0], $0xffff;
	v17 =	vmul.f32 s24, v25;
	s24 =	smul.f32 $1.562500000e-02, s23;
	v19 =	vmul.f32 s22, v26  }
0x122: {  	[tilespmem:s21+$0x20] =	vst v23;
	v21 =	vld.idx.msk [tilespmem:v59+s12+$0x0], $0xffff;
	s23 =	simm.s32 $0x10;
	s22 =	simm.s32 $0x10540;
	v23 =	vmul.f32 s29, v27;
	v24 =	vmul.f32 s31, v36  }
.LBB2_6:
0x123: {  	v25 =	vld [tilespmem:s22+$0xFFFFFFC0];
	[tilespmem:s22+$0xFFFFFFC0] =	vst v1;
	p0 =	slt.u32 s23, $0x38;
	v15 =	vmul.f32 s24, v15  }
0x124: {  	v26 =	vld [tilespmem:s22+$0xFFFFFFD0];
	[tilespmem:s22+$0xFFFFFFD0] =	vst v1  }
0x125: {  	v18 =	vadd.f32 v18, v24;
	v27 =	vld [tilespmem:s22+$0xFFFFFFE0];
	[tilespmem:s22+$0xFFFFFFE0] =	vst v1;
	v15 =	vadd.f32 v16, v15  }
0x126: {  	v20 =	vadd.f32 v20, v23;
	v16 =	vld [tilespmem:s22+$0xFFFFFFF0];
	[tilespmem:s22+$0xFFFFFFF0] =	vst v1  }
0x127: {  	v19 =	vadd.f32 v21, v19;
	v23 =	vld [tilespmem:s22+$0x0];
	[tilespmem:s22+$0x0] =	vst v1  }
0x128: {  	v17 =	vadd.f32 v22, v17;
	v12 =	vadd.s32 v12, v25;
	v21 =	vld [tilespmem:s22+$0x10];
	[tilespmem:s22+$0x10] =	vst v1  }
0x129: {  	v22 =	vadd.s32 v0, v12;
	v12 =	vadd.s32 v12, v26;
	v24 =	vld [tilespmem:s22+$0x20];
	[tilespmem:s22+$0x20] =	vst v1  }
0x12a: {  	s21 =	sadd.s32 $0x80, s21;
	v25 =	vadd.s32 v0, v12;
	v12 =	vadd.s32 v12, v27;
	v26 =	vld [tilespmem:s22+$0x30];
	[tilespmem:s22+$0x30] =	vst v1  }
0x12b: {  	v16 =	vadd.s32 v12, v16;
	v27 =	vld.idx.msk [tilespmem:v10+s12+$0x0], $0xffff;
	v10 =	vadd.s32 v0, v12;
	[tilespmem:s21+$0x30] =	vst v15  }
0x12c: {  	v28 =	vadd.s32 v0, v16;
	v12 =	vadd.s32 v16, v23;
	v15 =	vld.idx.msk [tilespmem:v9+s12+$0x0], $0xffff;
	[tilespmem:s21+$0x20] =	vst v18;
	v9 =	vmov v25  }
0x12d: {  	v23 =	vadd.s32 v0, v12;
	v12 =	vadd.s32 v12, v21;
	v16 =	vld.idx.msk [tilespmem:v8+s12+$0x0], $0xffff;
	[tilespmem:s21+$0x10] =	vst v20;
	v8 =	vmov v22  }
0x12e: {  	v18 =	vld.idx.msk [tilespmem:v22+s11+$0x0], $0xffff;
	v20 =	vadd.s32 v0, v12;
	v12 =	vadd.s32 v12, v24;
	[tilespmem:s21+$0x0] =	vst v19  }
0x12f: {  	s24 =	scvt.s32.f32 s23;
	s25 =	sadd.s32 $0x1, s23;
	v19 =	vld.idx.msk [tilespmem:v25+s11+$0x0], $0xffff;
	v21 =	vadd.s32 v0, v12;
	v12 =	vadd.s32 v12, v26;
	[tilespmem:s21+$0xFFFFFFF0] =	vst v17  }
0x130: {  	s26 =	sadd.s32 $0x2, s23;
	s25 =	scvt.s32.f32 s25;
	v17 =	vld.idx.msk [tilespmem:v10+s11+$0x0], $0xffff;
	v22 =	vadd.s32 v0, v12  }
0x131: {  	s28 =	sadd.s32 $0x3, s23;
	s26 =	scvt.s32.f32 s26;
	s24 =	smul.f32 $1.562500000e-02, s24;
	v14 =	vadd.f32 v27, v14;
	v24 =	vld.idx.msk [tilespmem:v28+s11+$0x0], $0xffff  }
0x132: {  	s29 =	sadd.s32 $0x4, s23;
	s28 =	scvt.s32.f32 s28;
	s25 =	smul.f32 $1.562500000e-02, s25;
	v13 =	vadd.f32 v15, v13;
	v25 =	vld.idx.msk [tilespmem:v23+s11+$0x0], $0xffff  }
0x133: {  	v16 =	vadd.f32 v16, v11;
	v26 =	vld.idx.msk [tilespmem:v20+s11+$0x0], $0xffff;
	[tilespmem:s21+$0xFFFFFFE0] =	vst v14;
	v11 =	vmul.f32 s24, v18;
	s24 =	smul.f32 $1.562500000e-02, s26;
	s26 =	scvt.s32.f32 s29  }
0x134: {  	s29 =	sadd.s32 $0x5, s23;
	v27 =	vld.idx.msk [tilespmem:v21+s11+$0x0], $0xffff;
	[tilespmem:s21+$0xFFFFFFD0] =	vst v13;
	v13 =	vmul.f32 s25, v19;
	s25 =	smul.f32 $1.562500000e-02, s28  }
0x135: {  	s28 =	scvt.s32.f32 s29;
	s29 =	sadd.s32 $0x6, s23;
	v15 =	vld.idx.msk [tilespmem:v22+s11+$0x0], $0xffff;
	[tilespmem:s21+$0xFFFFFFC0] =	vst v16;
	v14 =	vmul.f32 s24, v17;
	s24 =	smul.f32 $1.562500000e-02, s26  }
.Ltmp1:
0x136: {  	s26 =	scvt.s32.f32 s29;
	s29 =	sadd.s32 $0x7, s23;
	v16 =	vld.idx.msk [tilespmem:v22+s12+$0x0], $0xffff;
	(pc) =	sbr.rel @p0 .LBB2_6-.Ltmp1, $4  }
0x137: {  	v17 =	vmul.f32 s25, v24;
	s25 =	smul.f32 $1.562500000e-02, s28;
	s28 =	scvt.s32.f32 s29;
	v18 =	vld.idx.msk [tilespmem:v21+s12+$0x0], $0xffff  }
0x138: {  	v19 =	vmul.f32 s24, v25;
	s26 =	smul.f32 $1.562500000e-02, s26;
	v20 =	vld.idx.msk [tilespmem:v20+s12+$0x0], $0xffff  }
0x139: {  	s24 =	smul.f32 $1.562500000e-02, s28;
	v21 =	vld.idx.msk [tilespmem:v23+s12+$0x0], $0xffff;
	v23 =	vmul.f32 s25, v26  }
0x13a: {  	s22 =	sadd.s32 $0x80, s22;
	s23 =	sadd.s32 $0x8, s23;
	v24 =	vmul.f32 s26, v27;
	v22 =	vld.idx.msk [tilespmem:v28+s12+$0x0], $0xffff  }
0x13b: {  	_ =	sdelay $0x3  }
0x13c: {  	v10 =	vld.idx.msk [tilespmem:v10+s12+$0x0], $0xffff  }
0x13d: {  	v9 =	vld.idx.msk [tilespmem:v9+s12+$0x0], $0xffff  }
0x13e: {  	v12 =	vmul.f32 s24, v15;
	v8 =	vld.idx.msk [tilespmem:v8+s12+$0x0], $0xffff;
	s22 =	simm.s32 $0x3;
	s25 =	simm.s32 $0x1  }
0x13f: {  	s23 =	simm.s32 $0x0;
	v15 =	vadd.f32 v18, v24;
	v24 =	vadd.s32 s22, v0;
	v31 =	vadd.s32 s25, v0  }
0x140: {  	s21 =	sadd.s32 $0x80, s21;
	v27 =	vadd.s32 s23, v0;
	v12 =	vadd.f32 v16, v12;
	v28 =	vand.u32 $0xF, v31  }
0x141: {  	v16 =	vadd.f32 v20, v23;
	v18 =	vadd.f32 v21, v19;
	[tilespmem:s21+$0x20] =	vst v15;
	v29 =	vshll.u32 v28, $0x4  }
0x142: {  	v17 =	vadd.f32 v22, v17;
	[tilespmem:s21+$0x30] =	vst v12;
	v22 =	vand.u32 $0xF, v27;
	v10 =	vadd.f32 v10, v14  }
0x143: {  	s26 =	simm.s32 $0x2;
	[tilespmem:s21+$0x10] =	vst v16;
	v9 =	vadd.f32 v9, v13;
	v8 =	vadd.f32 v8, v11;
	v11 =	vand.u32 $0xF, v24  }
0x144: {  	[tilespmem:s21+$0x0] =	vst v18;
	v14 =	vadd.s32 s26, v0;
	v30 =	vshll.u32 v22, $0x4;
	v26 =	vshll.u32 v11, $0x4  }
0x145: {  	v32 =	vand.u32 $0xF, v14;
	v13 =	vor.u32 v0, v30;
	v12 =	vor.u32 v0, v26;
	[tilespmem:s21+$0xFFFFFFE0] =	vst v10  }
0x146: {  	v10 =	vor.u32 v0, v29;
	[tilespmem:s21+$0xFFFFFFD0] =	vst v9;
	v9 =	vshll.u32 v27, $0x4;
	v34 =	vshll.u32 v32, $0x4  }
0x147: {  	[tilespmem:s21+$0xFFFFFFC0] =	vst v8;
	v8 =	vand.u32 $0x7F, v13;
	v9 =	vand.u32 $0x80, v9;
	v15 =	vor.u32 v0, v34  }
0x148: {  	[tilespmem:s21+$0xFFFFFFF0] =	vst v17;
	v16 =	vor.u32 v9, v8  }
0x149: {  	v21 =	vor.u32 v7, v28;
	v37 =	vor.u32 v7, v22;
	v13 =	vor.u32 $0x100, v0;
	[tilespmem:$0x10800] =	vst v1  }
0x14a: {  	v18 =	vor.u32 v7, v11;
	v33 =	vor.u32 v7, v32;
	v20 =	vor.u32 v13, v26;
	v17 =	vld.idx.msk [tilespmem:v12+s13+$0x0], $0xffff  }
0x14b: {  	v23 =	vor.u32 v13, v29;
	v38 =	vor.u32 v13, v34;
	v39 =	vor.u32 v13, v30;
	v19 =	vld.idx.msk [tilespmem:v10+s13+$0x0], $0xffff  }
0x14c: {  	v9 =	vor.u32 $0x30, v7;
	v12 =	vor.u32 $0x10, v7;
	v10 =	vor.u32 $0x20, v7;
	v25 =	vld.idx.msk [tilespmem:v15+s13+$0x0], $0xffff  }
0x14d: {  	s28 =	simm.s32 $0x4;
	v8 =	vor.u32 v14, v9;
	v35 =	vor.u32 v11, v10;
	v40 =	vor.u32 v27, v12;
	v36 =	vld.idx.msk [tilespmem:v16+s13+$0x0], $0xffff  }
0x14e: {  	s29 =	simm.s32 $0x7;
	v11 =	vor.u32 $0x300, v0;
	v44 =	vor.u32 v31, v12;
	v15 =	vadd.s32 s28, v0  }
0x14f: {  	v52 =	vor.u32 v14, v12;
	v14 =	vadd.s32 s29, v0;
	v58 =	vor.u32 v28, v10;
	[tilespmem:v18+s14+$0x0] =	vst.idx.msk $0xffff, v17  }
0x150: {  	v16 =	vand.u32 $0xF, v15;
	v17 =	vor.u32 $0x200, v0;
	[tilespmem:v21+s14+$0x0] =	vst.idx.msk $0xffff, v19;
	v19 =	vor.u32 v24, v12;
	v41 =	vld.idx.msk [tilespmem:v20+s13+$0x0], $0xffff  }
0x151: {  	s30 =	simm.s32 $0x5;
	v57 =	vor.u32 v11, v26;
	v43 =	vld.idx.msk [tilespmem:v23+s13+$0x0], $0xffff;
	v45 =	vor.u32 v17, v26;
	[tilespmem:v33+s14+$0x0] =	vst.idx.msk $0xffff, v25  }
0x152: {  	v47 =	vshll.u32 v15, $0x4;
	v46 =	vor.u32 v17, v29;
	v20 =	vadd.s32 s30, v0;
	[tilespmem:v37+s14+$0x0] =	vst.idx.msk $0xffff, v36;
	v53 =	vld.idx.msk [tilespmem:v38+s13+$0x0], $0xffff  }
0x153: {  	s31 =	simm.s32 $0x6;
	v42 =	vor.u32 v17, v30;
	v54 =	vor.u32 v17, v34;
	v21 =	vand.u32 $0xF, v20;
	v55 =	vld.idx.msk [tilespmem:v39+s13+$0x0], $0xffff  }
0x154: {  	v25 =	vadd.s32 s31, v0;
	v39 =	vand.u32 $0xF, v14;
	v23 =	vshll.u32 v21, $0x4  }
0x155: {  	v26 =	vand.u32 $0xF, v25;
	v49 =	vor.u32 v0, v23;
	[tilespmem:v19+s14+$0x0] =	vst.idx.msk $0xffff, v41;
	v19 =	vshll.u32 v39, $0x4  }
0x156: {  	v18 =	vshll.u32 v16, $0x4;
	v28 =	vshll.u32 v26, $0x4;
	[tilespmem:v44+s14+$0x0] =	vst.idx.msk $0xffff, v43;
	v45 =	vld.idx.msk [tilespmem:v45+s13+$0x0], $0xffff;
	v48 =	vor.u32 v0, v19  }
0x157: {  	v56 =	vor.u32 v0, v18;
	v62 =	vor.u32 v0, v28;
	v44 =	vld.idx.msk [tilespmem:v46+s13+$0x0], $0xffff;
	[tilespmem:v52+s14+$0x0] =	vst.idx.msk $0xffff, v53  }
0x158: {  	v50 =	vor.u32 v32, v10;
	v59 =	vand.u32 $0x80, v47;
	v41 =	vand.u32 $0x7F, v56;
	[tilespmem:v40+s14+$0x0] =	vst.idx.msk $0xffff, v55;
	v61 =	vld.idx.msk [tilespmem:v54+s13+$0x0], $0xffff  }
0x159: {  	v60 =	vor.u32 v11, v29;
	v51 =	vor.u32 v11, v30;
	v41 =	vor.u32 v59, v41;
	v63 =	vld.idx.msk [tilespmem:v42+s13+$0x0], $0xffff  }
0x15a: {  	v30 =	vor.u32 v11, v34;
	v29 =	vor.u32 v27, v9;
	v52 =	vor.u32 v22, v10;
	v36 =	vld.idx.msk [tilespmem:v49+s13+$0x0], $0xffff  }
0x15b: {  	v34 =	vor.u32 v31, v9;
	v27 =	vmov v17;
	v53 =	vor.u32 v7, v39;
	v48 =	vld.idx.msk [tilespmem:v48+s13+$0x0], $0xffff  }
0x15c: {  	v38 =	vor.u32 v13, v18;
	v37 =	vld.idx.msk [tilespmem:v62+s13+$0x0], $0xffff;
	[tilespmem:v35+s14+$0x0] =	vst.idx.msk $0xffff, v45;
	v45 =	vor.u32 v13, v19  }
0x15d: {  	v43 =	vor.u32 v13, v23;
	v35 =	vor.u32 v24, v9;
	[tilespmem:v58+s14+$0x0] =	vst.idx.msk $0xffff, v44;
	v33 =	vld.idx.msk [tilespmem:v57+s13+$0x0], $0xffff  }
0x15e: {  	v42 =	vor.u32 v7, v21;
	v24 =	vor.u32 v39, v10;
	v39 =	vld.idx.msk [tilespmem:v41+s13+$0x0], $0xffff;
	[tilespmem:v50+s14+$0x0] =	vst.idx.msk $0xffff, v61  }
0x15f: {  	v22 =	vor.u32 v25, v9;
	v40 =	vor.u32 v7, v16;
	v32 =	vld.idx.msk [tilespmem:v60+s13+$0x0], $0xffff;
	[tilespmem:v52+s14+$0x0] =	vst.idx.msk $0xffff, v63  }
0x160: {  	s21 =	simm.s32 $0x8;
	v44 =	vor.u32 v7, v26;
	v41 =	vor.u32 v13, v28;
	v31 =	vld.idx.msk [tilespmem:v51+s13+$0x0], $0xffff;
	[tilespmem:v53+s14+$0x0] =	vst.idx.msk $0xffff, v48  }
.LBB2_8:
0x161: {  	v46 =	vor.u32 v15, v12;
	v45 =	vld.idx.msk [tilespmem:v45+s13+$0x0], $0xffff  }
0x162: {  	p0 =	slt.u32 s21, $0xC;
	[tilespmem:v35+s14+$0x0] =	vst.idx.msk $0xffff, v33;
	v47 =	vmovc v15;
	v48 =	vmovc v20;
	v33 =	vmov v23;
	v35 =	vmov v26;
	v49 =	vmov v28;
	s22 =	smov.u32 s21;
	s21 =	sadd.s32 $0x4, s21  }
0x163: {  	v50 =	vor.u32 v27, v18;
	v23 =	vor.u32 v14, v12;
	[tilespmem:v42+s14+$0x0] =	vst.idx.msk $0xffff, v36;
	v26 =	vld.idx.msk [tilespmem:v30+s13+$0x0], $0xffff  }
0x164: {  	v30 =	vor.u32 v48, v12;
	v36 =	vor.u32 v27, v19;
	v28 =	vld.idx.msk [tilespmem:v43+s13+$0x0], $0xffff;
	[tilespmem:v34+s14+$0x0] =	vst.idx.msk $0xffff, v32  }
0x165: {  	v15 =	vadd.s32 s22, v0;
	v32 =	vor.u32 v27, v33;
	v34 =	vor.u32 v25, v12;
	[tilespmem:v44+s14+$0x0] =	vst.idx.msk $0xffff, v37  }
0x166: {  	s23 =	sadd.s32 $0x1, s22;
	s24 =	sadd.s32 $0x2, s22;
	s22 =	sadd.s32 $0x3, s22;
	v25 =	vshll.u32 v15, $0x4;
	v37 =	vand.u32 $0xF, v15;
	[tilespmem:v40+s14+$0x0] =	vst.idx.msk $0xffff, v39;
	v39 =	vld.idx.msk [tilespmem:v41+s13+$0x0], $0xffff;
	v40 =	vor.u32 v27, v49  }
0x167: {  	v20 =	vadd.s32 s23, v0;
	v42 =	vadd.s32 s22, v0;
	v41 =	vshll.u32 v37, $0x4;
	v27 =	vmovc v17;
	v38 =	vld.idx.msk [tilespmem:v38+s13+$0x0], $0xffff;
	[tilespmem:v29+s14+$0x0] =	vst.idx.msk $0xffff, v31  }
0x168: {  	v44 =	vand.u32 $0xF, v42;
	v29 =	vor.u32 v0, v41;
	v31 =	vand.u32 $0xF, v20;
	[tilespmem:v23+s14+$0x0] =	vst.idx.msk $0xffff, v45  }
0x169: {  	v43 =	vshll.u32 v44, $0x4;
	v29 =	vand.u32 $0x7F, v29;
	v23 =	vshll.u32 v31, $0x4;
	v36 =	vld.idx.msk [tilespmem:v36+s13+$0x0], $0xffff;
	[tilespmem:v8+s14+$0x0] =	vst.idx.msk $0xffff, v26;
	v8 =	vmovc v22  }
0x16a: {  	v51 =	vor.u32 v0, v43;
	v22 =	vand.u32 $0x80, v25;
	v45 =	vor.u32 v0, v23;
	[tilespmem:v30+s14+$0x0] =	vst.idx.msk $0xffff, v28  }
0x16b: {  	v25 =	vadd.s32 s24, v0;
	v52 =	vor.u32 v22, v29;
	v30 =	vor.u32 v11, v19;
	v19 =	vmovc v43;
	v29 =	vld.idx.msk [tilespmem:v32+s13+$0x0], $0xffff  }
0x16c: {  	v53 =	vor.u32 v11, v18;
	v26 =	vand.u32 $0xF, v25;
	v32 =	vor.u32 v21, v10;
	[tilespmem:v34+s14+$0x0] =	vst.idx.msk $0xffff, v39  }
0x16d: {  	v18 =	vmov v41;
	v28 =	vshll.u32 v26, $0x4;
	v34 =	vor.u32 v11, v33;
	[tilespmem:v46+s14+$0x0] =	vst.idx.msk $0xffff, v38;
	v38 =	vld.idx.msk [tilespmem:v40+s13+$0x0], $0xffff  }
0x16e: {  	v39 =	vor.u32 v0, v28;
	v46 =	vor.u32 v16, v10;
	v40 =	vor.u32 v35, v10;
	v41 =	vld.idx.msk [tilespmem:v50+s13+$0x0], $0xffff  }
0x16f: {  	v22 =	vor.u32 v25, v9;
	v21 =	vmov v31;
	v16 =	vmov v37;
	v50 =	vld.idx.msk [tilespmem:v51+s13+$0x0], $0xffff;
	[tilespmem:v24+s14+$0x0] =	vst.idx.msk $0xffff, v36  }
0x170: {  	v31 =	vor.u32 v7, v44;
	v35 =	vor.u32 v14, v9;
	v14 =	vmov v42;
	v33 =	vld.idx.msk [tilespmem:v30+s13+$0x0], $0xffff  }
.Ltmp2:
0x171: {  	v30 =	vor.u32 v11, v49;
	v36 =	vld.idx.msk [tilespmem:v45+s13+$0x0], $0xffff;
	v45 =	vor.u32 v13, v19;
	[tilespmem:v32+s14+$0x0] =	vst.idx.msk $0xffff, v29;
	(pc) =	sbr.rel @p0 .LBB2_8-.Ltmp2, $4  }
0x172: {  	v42 =	vor.u32 v7, v21;
	v29 =	vor.u32 v47, v9;
	v32 =	vld.idx.msk [tilespmem:v34+s13+$0x0], $0xffff;
	v34 =	vor.u32 v48, v9  }
0x173: {  	v43 =	vor.u32 v13, v23;
	v24 =	vor.u32 v44, v10;
	v37 =	vld.idx.msk [tilespmem:v39+s13+$0x0], $0xffff;
	[tilespmem:v40+s14+$0x0] =	vst.idx.msk $0xffff, v38  }
0x174: {  	v44 =	vor.u32 v7, v26;
	v40 =	vor.u32 v7, v16;
	v39 =	vld.idx.msk [tilespmem:v52+s13+$0x0], $0xffff;
	[tilespmem:v46+s14+$0x0] =	vst.idx.msk $0xffff, v41  }
0x175: {  	v38 =	vor.u32 v13, v18;
	v41 =	vor.u32 v13, v28;
	[tilespmem:v31+s14+$0x0] =	vst.idx.msk $0xffff, v50;
	v31 =	vld.idx.msk [tilespmem:v53+s13+$0x0], $0xffff  }
0x176: {  	_ =	sdelay $0x3  }
0x177: {  	v7 =	vld.idx.msk [tilespmem:v45+s13+$0x0], $0xffff;
	[tilespmem:v42+s14+$0x0] =	vst.idx.msk $0xffff, v36;
	v13 =	vor.u32 v14, v12  }
0x178: {  	v60 =	vor.u32 v20, v12;
	v61 =	vor.u32 v27, v19;
	v17 =	vld.idx.msk [tilespmem:v43+s13+$0x0], $0xffff;
	[tilespmem:v44+s14+$0x0] =	vst.idx.msk $0xffff, v37  }
0x179: {  	v63 =	vor.u32 v27, v23;
	v47 =	vor.u32 v25, v12;
	[tilespmem:v40+s14+$0x0] =	vst.idx.msk $0xffff, v39;
	v48 =	vld.idx.msk [tilespmem:v41+s13+$0x0], $0xffff  }
0x17a: {  	v62 =	vor.u32 v15, v12;
	v49 =	vor.u32 v27, v28;
	v45 =	vld.idx.msk [tilespmem:v38+s13+$0x0], $0xffff  }
0x17b: {  	v46 =	vor.u32 v27, v18  }
0x17c: {  	[tilespmem:v13+s14+$0x0] =	vst.idx.msk $0xffff, v7  }
0x17d: {  	v7 =	vld.idx.msk [tilespmem:v61+s13+$0x0], $0xffff;
	[tilespmem:v60+s14+$0x0] =	vst.idx.msk $0xffff, v17  }
0x17e: {  	v51 =	vor.u32 v11, v19;
	v52 =	vor.u32 v21, v10;
	v50 =	vld.idx.msk [tilespmem:v63+s13+$0x0], $0xffff;
	[tilespmem:v47+s14+$0x0] =	vst.idx.msk $0xffff, v48  }
0x17f: {  	v53 =	vor.u32 v11, v23;
	v57 =	vor.u32 v26, v10;
	[tilespmem:v62+s14+$0x0] =	vst.idx.msk $0xffff, v45;
	v56 =	vld.idx.msk [tilespmem:v49+s13+$0x0], $0xffff  }
0x180: {  	v16 =	vor.u32 v16, v10;
	[tilespmem:v35+s14+$0x0] =	vst.idx.msk $0xffff, v33;
	v58 =	vor.u32 v11, v28;
	v54 =	vld.idx.msk [tilespmem:v46+s13+$0x0], $0xffff  }
0x181: {  	v55 =	vor.u32 v11, v18;
	[tilespmem:v34+s14+$0x0] =	vst.idx.msk $0xffff, v32  }
0x182: {  	v59 =	vld.idx.msk [tilespmem:v30+s13+$0x0], $0xffff;
	[tilespmem:v24+s14+$0x0] =	vst.idx.msk $0xffff, v7  }
0x183: {  	v60 =	vor.u32 v14, v9;
	v7 =	vld.idx.msk [tilespmem:v51+s13+$0x0], $0xffff;
	[tilespmem:v52+s14+$0x0] =	vst.idx.msk $0xffff, v50  }
0x184: {  	v61 =	vor.u32 v20, v9;
	v12 =	vld.idx.msk [tilespmem:v53+s13+$0x0], $0xffff;
	[tilespmem:v57+s14+$0x0] =	vst.idx.msk $0xffff, v56  }
0x185: {  	s20 =	sadd.s32 $0x1, s20;
	[tilespmem:v16+s14+$0x0] =	vst.idx.msk $0xffff, v54;
	v11 =	vld.idx.msk [tilespmem:v58+s13+$0x0], $0xffff  }
0x186: {  	p0 =	sne.s32 s20, $0x8;
	[tilespmem:v29+s14+$0x0] =	vst.idx.msk $0xffff, v31;
	v62 =	vor.u32 v15, v9;
	v63 =	vld.idx.msk [tilespmem:v55+s13+$0x0], $0xffff  }
.Ltmp3:
0x187: {  	[tilespmem:v8+s14+$0x0] =	vst.idx.msk $0xffff, v59;
	(pc) =	sbr.rel @p0 .LBB2_3-.Ltmp3, $4  }
0x188: {  	[tilespmem:v60+s14+$0x0] =	vst.idx.msk $0xffff, v7  }
0x189: {  	[tilespmem:v61+s14+$0x0] =	vst.idx.msk $0xffff, v12  }
0x18a: {  	[tilespmem:v22+s14+$0x0] =	vst.idx.msk $0xffff, v11  }
0x18b: {  	[tilespmem:v62+s14+$0x0] =	vst.idx.msk $0xffff, v63  }
0x18c: {  	p0 =	sne.s32 s16, $0x20  }
.Ltmp4:
0x18d: {  	_ = 	snop;
	(pc) =	sbr.rel @p0 .LBB2_2-.Ltmp4, $4  }
0x18e: {  	_ = 	snop  }
0x18f: {  	s17 =	sshll.u32 s17, $0x4  }
0x190: {  	s18 =	sor.u32 $0x8000, s18;
	s17 =	sadd.s32 s3, s17  }
0x191: {  	[hbm4b:s17+s2] =	stream.linear.scatter [tilespmem:s18], [sflag:$0x2], $0x4000, $0x38;
	[tilespmem:$0x11180] =	vst v63  }
0x192: {  	s15 =	sadd.s32 $0x1, s15  }
0x193: {  	_ =	swait.ge [sflag:s9], $0x4000;
	p0 =	sne.s32 s15, s7  }
.Ltmp5:
0x194: {  	[sflag:s9] =	ssyncset.done $0x0;
	(pc) =	sbr.rel @p0 .LBB2_1-.Ltmp5, $4  }
0x195: {  	[sflag:s9] =	ssyncadd.s32 $0xFFFFC000  }
0x196: {  	_ =	swait.ge [sflag:s9], $0x4000  }
0x197: {  	[sflag:s9] =	ssyncset.done $0x0  }
0x198: {  	[sflag:s9] =	ssyncadd.s32 $0xFFFFC000  }
0x199: {  	_ =	sfence.sel $0x180000  }
0x19a: {  	[bflag:$0x0] =	sbarrier.arrive $0xFFFF  }
0x19b: {  	p0 =	sne.s32 s1, $0x0;
	_ =	strace $0x90000047  }
0x19c: {  	s0 =	sadd.s32 @!p0 $0x100000, s0;
	[bflag:$0x2] =	sbarrier.arrive $0xFFFF  }
0x19d: {  	[sflag:s0] =	ssyncadd.tile.s32 @!p0 $0x1;
	_ =	shalt  }
.Lfunc_end2:
_tile_overlayer_lowered:
.L_overlay_start_2:
0x19e: {  	(tag) =	ssettag $0x2  }
0x19f: {  	s0 =	rddreg [dreg:$0x0];
	s2 =	stileid.u32  }
0x1a0: {  	s1 =	rddreg [dreg:$0x1];
	p0 =	sne.s32 s2, $0x0  }
0x1a1: {  	s3 =	rddreg [dreg:$0x2];
	[bflag:$0x3] =	sbarrier.arrive $0xFFFF;
	s2 =	simm.s32 @!p0 $0x1C03  }
0x1a2: {  	[timem:s3], [sflag:s2] =	dma.local @!p0 [hbm:s0], s1  }
0x1a3: {  	s0 =	simm.s32 @!p0 $0x3  }
0x1a4: {  	_ =	swait.ge @!p0 [sflag:s0], s1  }
0x1a5: {  	s1 =	ssub.s32 @!p0 $0x0, s1;
	[sflag:s0] =	ssyncset.done @!p0 $0x0  }
0x1a6: {  	[sflag:s0] =	ssyncadd.s32 @!p0 s1  }
0x1a7: {  	[bflag:$0x3] =	sbarrier.arrive $0xFFFF  }
0x1a8: {  	_ =	shalt  }

// kernel: sparse-core-data-format-call.cloned.1.call-start
scs
called_computation_lowered:
.L_overlay_start_0:
0x0: {  	s2 =	sld [smem:$0x3FD9]  }
0x1: {  	s3 =	sld [smem:$0x3FFE];
	_ =	sdelay $0x1  }
0x2: {  	s1 =	srdreg.scid  }
0x3: {  	s0 =	sand.u32 $0x1, s1  }
0x4: {  	s18 =	sshll.u32 s0, $0xA;
	s2 =	sadd.s32 s3, s2  }
0x5: {  	s2 =	sadd.s32 s2, s18  }
0x6: {  	[smem:$0x3FC7] =	sst s2  }
0x7: {  	_ = 	snop  }
0x8: {  	s2 =	sld [smem:$0x3FD0];
	(tm) =	ssettm $0x1  }
0x9: {  	s19 =	sld [smem:$0x3FFB];
	_ =	sdelay $0x3  }
0xa: {  	_ =	strace s19  }
0xb: {  	s3 =	sld [smem:$0x3FFC];
	_ =	sdelay $0x3  }
0xc: {  	_ =	strace s3  }
0xd: {  	s3 =	sld [smem:$0x3FFD];
	_ =	sdelay $0x3  }
0xe: {  	_ =	strace s3  }
0xf: {  	_ =	strace $0x8FFFFFFF  }
0x10: {  	s20 =	sld [smem:$0x3FDB];
	_ =	sdelay $0x1  }
0x11: {  	s4 =	simm.s32 $_scs_section_size  }
0x12: {  	s5 =	simm.s32 $_size__tile_overlayer_lowered;
	s6 =	simm.s32 $_tile_overlayer_lowered  }
0x13: {  	s23 =	simm.s32 $0x1BFF;
	s22 =	sshll.u32 s6, $0x1;
	s3 =	sadd.s32 s4, s20  }
0x14: {  	s7 =	simm.s32 $0x0;
	s21 =	sshll.u32 s5, $0x1;
	s5 =	sadd.s32 s22, s3  }
0x15: {  	[timem:s7], [sflag:s23] =	dma.local [hbm:s5], s21  }
0x16: {  	_ =	swait.ge [sflag:s23], s21  }
0x17: {  	s4 =	ssub.s32 $0x0, s21;
	[sflag:s23] =	ssyncset.done $0x0  }
0x18: {  	[sflag:s23] =	ssyncadd.s32 s4;
	_ =	sdelay $0x1  }
0x19: {  	s24 =	simm.s32 $0x1B8B  }
0x1a: {  	_ =	swait.ge [sflag:s24], $0x1  }
0x1b: {  	[sflag:s24] =	ssyncset.done $0x0  }
0x1c: {  	s26 =	simm.s32 $0x1B8E;
	s25 =	sld [smem:$0x3FFE];
	[sflag:s24] =	ssyncadd.s32 $0xFFFFFFFF  }
0x1d: {  	s27 =	simm.s32 $execute0_lowered;
	[smem:$0x3FD2] =	sst s26  }
0x1e: {  	s5 =	sshll.u32 s27, $0x1;
	_ =	strace $0x80000049;
	[dreg:$0x1] =	wrdreg $0xFFFFFFFF  }
0x1f: {  	s28 =	simm.s32 $_size_execute0_lowered;
	s3 =	sadd.s32 s3, s5;
	[dreg:$0x0] =	wrdreg $0x0  }
0x20: {  	s5 =	sshll.u32 s28, $0x1;
	[dreg:$0x2] =	wrdreg s3  }
0x21: {  	[dreg:$0x3] =	wrdreg s5  }
0x22: {  	[dreg:$0x4] =	wrdreg $0xC0  }
0x23: {  	_ =	task [dreg:s7], $0x5FFFF  }
0x24: {  	[dreg:$0x1] =	wrdreg $0xFFFFFFFF  }
0x25: {  	[dreg:$0x0] =	wrdreg $0x60  }
0x26: {  	[dreg:$0x2] =	wrdreg s25  }
0x27: {  	[dreg:$0x3] =	wrdreg s2  }
0x28: {  	[dreg:$0x4] =	wrdreg $0x9  }
0x29: {  	_ =	task.clear_ibuf [dreg:s7], $0x5FFFF;
	_ =	strace $0x90000049  }
0x2a: {  	s29 =	simm.s32 $0x9;
	_ =	strace $0x8000004B  }
0x2b: {  	_ =	swait.ge [sflag:s29], $0x1  }
0x2c: {  	[sflag:s29] =	ssyncadd.s32 $0xFFFFFFFF  }
0x2d: {  	_ =	strace $0x9000004B  }
0x2e: {  	_ =	sfence  }
0x2f: {  	s30 =	sld [smem:$0x0];
	_ =	sdelay $0x2  }
0x30: {  	s31 =	sshll.u32 s1, $0xD;
	s1 =	sshrl.u32 s1, $0x2  }
0x31: {  	s3 =	sand.u32 $0x4000, s31;
	s1 =	sadd.s32 s1, s30  }
0x32: {  	s0 =	sor.u32 s3, s0;
	s1 =	sshll.u32 s1, $0x11  }
0x33: {  	s0 =	sor.u32 s1, s0  }
0x34: {  	s0 =	sadd.s32 $0x8F2B, s0  }
0x35: {  	[sflag:s0] =	ssyncadd.remote.s32 $0x1  }
0x36: {  	_ =	sfence.sel $0xFFFF  }
0x37: {  	[dreg:$0x0] =	wrdreg $0xFFFFFFFF;
	(pc) =	sbr.abs _section_cstart, $3  }
0x38: {  	[dreg:$0x1] =	wrdreg $0xFFFFFFFF  }
0x39: {  	_ =	task.clear_ibuf [dreg:s7], $0x2FFFF;
	_ =	strace $0x9FFFFFFF  }
0x3a: {  	(tm) =	ssettm $0x7FFFFFFF  }
0x3b: {  	_ =	shalt  }
tec
execute0_lowered:
.L_overlay_start_1:
0x0: {  	(tag) =	ssettag $0x1  }
0x1: {  	s0 =	srdreg.scid  }
0x2: {  	s1 =	sshll.u32 s0, $0x4  }
0x3: {  	s4 =	rddreg [dreg:$0x0];
	s0 =	stileid.u32;
	s1 =	sand.u32 $0x10, s1  }
0x4: {  	s2 =	rddreg [dreg:$0x1];
	s7 =	simm.s32 $0x1;
	s1 =	sor.u32 s0, s1  }
0x5: {  	s8 =	simm.s32 $0x2;
	s11 =	simm.s32 $0x0;
	s3 =	sshll.u32 s1, $0x7  }
0x6: {  	s10 =	simm.s32 $0x0;
	s4 =	sadd.s32 $0x800, s4;
	s6 =	ssub.s32 $0x20000, s3  }
.Ltmp0:
0x7: {  	s1 =	rddreg [dreg:$0x2];
	s5 =	sand.u32 $0xF80, s6;
	(pc) =	sbr.rel .LBB1_1-.Ltmp0, $4  }
0x8: {  	_ =	strace $0x8000004A;
	s9 =	smov.u32 s3;
	p0 =	sne.s32 s5, $0x0  }
0x9: {  	s6 =	sshrl.u32 s6, $0xC;
	s5 =	simm.s32 $0x1;
	s7 =	simm.s32 @!p0 $0x0  }
0xa: {  	[sflag:s5] =	ssyncpa.u1 $0x0;
	p0 =	por $0x0, $0x0;
	s6 =	sadd.s32 s7, s6  }
0xb: {  	[sflag:s8] =	ssyncpa.u1 $0x0;
	s8 =	simm.s32 $0x100000;
	s7 =	sadd.s32 $0x1, s6  }
.LBB1_4:
0xc: {  	s14 =	sshll.u32 s11, $0x3  }
0xd: {  	s15 =	sand.u32 $0x78, s11;
	s14 =	sand.u32 $0x1FC00, s14  }
0xe: {  	[tilespmem:s13+$0x810 ss:$0x81] =	vst.msk $0xffff, v2;
	s29 =	sand.u32 $0xFC000, s11;
	s30 =	sand.u32 $0x7, s11;
	s14 =	sor.u32 s15, s14  }
0xf: {  	[tilespmem:s13+$0x1020 ss:$0x81] =	vst.msk $0xffff, v0;
	s11 =	sshll.u32 s30, $0x12;
	s15 =	sadd.s32 s2, s29;
	s14 =	sshrl.u32 s14, $0x3  }
0x10: {  	[tilespmem:s13+$0x0 ss:$0x81] =	vst.msk $0xffff, v1;
	s11 =	sor.u32 $0x400, s11;
	s31 =	sadd.s32 s14, s15  }
0x11: {  	[hbm4b:s31+s11] =	stream.strided.scatter [tilespmem:s12], [sflag:$0x2], $0x2000, s8, s11, $0x20;
	[tilespmem:$0x8080] =	vst v63  }
.LBB1_5:
0x12: {  	s13 =	sadd.s32 $0x1000, s9  }
0x13: {  	p2 =	sgt.s32 s13, $0x1FFFF  }
0x14: {  	s13 =	smov.u32 @p2 s3;
	p2 =	sne.s32 s10, s7  }
.Ltmp1:
0x15: {  	p1 =	slt.u32 s10, $0x2;
	(pc) =	sbr.rel @!p2 .LBB1_6-.Ltmp1, $4  }
0x16: {  	s12 =	simm.s32 @!p1 $0x2  }
0x17: {  	s14 =	sadd.s32 $0x1, s10;
	_ =	swait.ge @!p1 [sflag:s12], $0x2000  }
0x18: {  	s11 =	smov.u32 s9;
	p0 =	por !p0, !p0;
	[sflag:s12] =	ssyncset.done @!p1 $0x0  }
0x19: {  	s10 =	smov.u32 s14;
	s9 =	smov.u32 s13;
	[sflag:s12] =	ssyncadd.s32 @!p1 $0xFFFFE000  }
.LBB1_1:
0x1a: {  	p1 =	sge.u32 s10, s6  }
0x1b: {  	s31 =	sadd.s32 $0xFFFFFFFF, s10;
	s12 =	sxor.u32 @!p1 $0xFFFFFFFF, s10;
	s13 =	sshll.u32 @!p1 s9, $0x4  }
0x1c: {  	s14 =	simm.s32 @!p1 $0x40;
	s12 =	sshll.u32 @!p1 s12, $0xD;
	s13 =	sand.u32 @!p1 $0x1FFFF0, s13  }
0x1d: {  	s15 =	simm.s32 @!p1 $0x80;
	s12 =	sand.u32 @!p1 $0x2000, s12;
	s13 =	sadd.s32 @!p1 s4, s13  }
0x1e: {  	[tilespmem:s12], [sflag:$0x1] =	stream.strided.gather @!p1 [hbm4b:s13+s14], $0x2000, s15, s14, $0x38;
	[tilespmem:$0x8080] =	vst v63  }
0x1f: {  	p1 =	sge.u32 s31, s6  }
.Ltmp2:
0x20: {  	_ = 	snop;
	(pc) =	sbr.rel @p1 .LBB1_5-.Ltmp2, $1  }
0x21: {  	_ =	sdelay $0x3  }
0x22: {  	s12 =	simm.s32 $0x1  }
0x23: {  	_ =	swait.ge [sflag:s5], $0x2000;
	s12 =	simm.s32 @!p0 $0x0  }
0x24: {  	[sflag:s5] =	ssyncset.done $0x0;
	s13 =	sshll.u32 s12, $0xD  }
0x25: {  	[sflag:s5] =	ssyncadd.s32 $0xFFFFE000;
	s16 =	sor.u32 $0x20, s13  }
0x26: {  	s12 =	smul.u32 $0x8100, s12;
	v3 =	vld [tilespmem:s16+$0x10]  }
0x27: {  	s30 =	sand.u32 $0x1, s10;
	v2 =	vld [tilespmem:s16+$0xFFFFFFF0]  }
0x28: {  	s13 =	smul.u32 $0x8100, s30;
	s12 =	sshrl.u32 s12, $0x2;
	v0 =	vld [tilespmem:s16+$0x0]  }
0x29: {  	v1 =	vld [tilespmem:s16+$0xFFFFFFE0];
	s14 =	sor.u32 $0x4000, s12  }
0x2a: {  	s31 =	sshrl.u32 s13, $0x2;
	s13 =	sadd.s32 $0x0, s14  }
0x2b: {  	s15 =	simm.s32 $0x4;
	s16 =	sadd.s32 $0x40, s16;
	s12 =	sor.u32 $0x4000, s31;
	[tilespmem:s13+$0x1830 ss:$0x81] =	vst.msk $0xffff, v3  }
.LBB1_3:
0x2c: {  	v3 =	vld [tilespmem:s16+$0x10];
	p1 =	sne.s32 s15, $0x1FC;
	[tilespmem:s13+$0x810 ss:$0x81] =	vst.msk $0xffff, v2;
	s17 =	smov.u32 s15;
	s15 =	sadd.s32 $0x4, s15  }
.Ltmp3:
0x2d: {  	v2 =	vld [tilespmem:s16+$0xFFFFFFF0];
	[tilespmem:s13+$0x1020 ss:$0x81] =	vst.msk $0xffff, v0;
	(pc) =	sbr.rel @p1 .LBB1_3-.Ltmp3, $4  }
0x2e: {  	v0 =	vld [tilespmem:s16+$0x0];
	[tilespmem:s13+$0x0 ss:$0x81] =	vst.msk $0xffff, v1  }
0x2f: {  	s13 =	sshra.s32 s17, $0x2;
	v1 =	vld [tilespmem:s16+$0xFFFFFFE0]  }
0x30: {  	s13 =	sadd.s32 s13, s14  }
0x31: {  	s16 =	sadd.s32 $0x40, s16;
	[tilespmem:s13+$0x1830 ss:$0x81] =	vst.msk $0xffff, v3  }
.Ltmp4:
0x32: {  	_ = 	snop;
	(pc) =	sbr.rel .LBB1_4-.Ltmp4, $1  }
0x33: {  	_ =	sdelay $0x3  }
.LBB1_6:
0x34: {  	_ =	sfence.sel $0x180000  }
0x35: {  	s2 =	simm.s32 $0x1;
	[bflag:$0x0] =	sbarrier.arrive $0xFFFF  }
0x36: {  	s31 =	simm.s32 $0x2;
	[sflag:s2] =	ssyncpa.u1 $0x1  }
0x37: {  	[sflag:s31] =	ssyncpa.u1 $0x1  }
0x38: {  	p0 =	sne.s32 s0, $0x0;
	_ =	strace $0x9000004A  }
0x39: {  	s0 =	sadd.s32 @!p0 $0x100000, s1;
	[bflag:$0x2] =	sbarrier.arrive $0xFFFF  }
0x3a: {  	[sflag:s0] =	ssyncadd.tile.s32 @!p0 $0x1;
	_ =	shalt  }
.Lfunc_end1:
_tile_overlayer_lowered:
.L_overlay_start_2:
0x3b: {  	(tag) =	ssettag $0x2  }
0x3c: {  	s0 =	rddreg [dreg:$0x0];
	s2 =	stileid.u32  }
0x3d: {  	s1 =	rddreg [dreg:$0x1];
	p0 =	sne.s32 s2, $0x0  }
0x3e: {  	s3 =	rddreg [dreg:$0x2];
	[bflag:$0x3] =	sbarrier.arrive $0xFFFF;
	s2 =	simm.s32 @!p0 $0x1C01  }
0x3f: {  	[timem:s3], [sflag:s2] =	dma.local @!p0 [hbm:s0], s1  }
0x40: {  	s0 =	simm.s32 @!p0 $0x1  }
0x41: {  	_ =	swait.ge @!p0 [sflag:s0], s1  }
0x42: {  	s1 =	ssub.s32 @!p0 $0x0, s1;
	[sflag:s0] =	ssyncset.done @!p0 $0x0  }
0x43: {  	[sflag:s0] =	ssyncadd.s32 @!p0 s1  }
0x44: {  	[bflag:$0x3] =	sbarrier.arrive $0xFFFF  }
0x45: {  	_ =	shalt  }

</sc_bundles>
